<compile_context>
chip_gen: v7x
topology: tpu7x:2x2x1
jax: 0.10.2.dev20260603
libtpu: 0.0.44.dev20260713+nightly
codegen_flags: <defaults>
</compile_context>

<pallas_src>
import functools

import jax
import jax.numpy as jnp
from jax import lax
from jax.experimental import pallas as pl
from jax.experimental.pallas import tpu as pltpu
from jax.experimental.pallas import tpu_sc as plsc

DIM = 16
NW = 32
BLOCK = 3200
GROUPS = BLOCK // 16
ZROWS = 52
REP = ZROWS * DIM + 1


def _gather_kernel(
    nb,
    species_hbm,
    table_hbm,
    out_hbm,
    idx0,
    idx1,
    tr0,
    tr1,
    table_v,
    table_tmp,
    sin0,
    sin1,
    sout0,
    sout1,
):
    w = lax.axis_index("s") * 2 + lax.axis_index("c")
    iters = (nb + NW - 1) // NW
    assert iters % 2 == 0
    idx_bufs = (idx0, idx1)
    tr_bufs = (tr0, tr1)
    sin = (sin0, sin1)
    sout = (sout0, sout1)

    pltpu.sync_copy(table_hbm, table_tmp)

    def stage_row(s, _):
        off = s * DIM
        vec = table_tmp[pl.ds(off, 16)]
        for l in range(16):
            table_v[pl.ds(off + l * REP, 16)] = vec
        return ()

    lax.fori_loop(0, ZROWS, stage_row, ())
    lane_rep = lax.iota(jnp.int32, 16) * REP

    def in_copy(k, j):
        b = w + NW * k
        return pltpu.make_async_copy(
            species_hbm.at[pl.ds(b * BLOCK, BLOCK)], idx_bufs[j], sin[j]
        )

    def out_copy(k, j):
        b = w + NW * k
        return pltpu.make_async_copy(
            tr_bufs[j], out_hbm.at[:, pl.ds(b * BLOCK, BLOCK)], sout[j]
        )

    def valid(k):
        return w + NW * k < nb

    @pl.when(valid(0))
    def _():
        in_copy(0, 0).start()

    def outer(i, _):
        k0 = i * 2
        for j in range(2):
            k = k0 + j

            @pl.when(valid(k + 1))
            def _():
                in_copy(k + 1, 1 - j).start()

            @pl.when(valid(k))
            def _():
                in_copy(k, j).wait()

                @pl.when(k >= 2)
                def _():
                    out_copy(k - 2, j).wait()

                idx_v = idx_bufs[j]
                trans_v = tr_bufs[j]

                @plsc.parallel_loop(0, GROUPS, unroll=2)
                def _(g):
                    a0 = g * 16
                    v = idx_v[pl.ds(a0, 16)]
                    u = v * DIM + lane_rep
                    vals = [plsc.load_gather(table_v, [u + d]) for d in range(DIM)]
                    for d in range(DIM):
                        trans_v[d, pl.ds(a0, 16)] = vals[d]

                out_copy(k, j).start()

        return ()

    lax.fori_loop(0, iters // 2, outer, ())
    out_copy(0, 0).wait()
    out_copy(0, 1).wait()


def kernel(species, rand_encoding):
    (n,) = species.shape
    assert n % BLOCK == 0
    nb = n // BLOCK
    species = species.astype(jnp.int32)
    table_flat = rand_encoding.reshape(-1)

    mesh = plsc.VectorSubcoreMesh(core_axis_name="c", subcore_axis_name="s")
    k = functools.partial(
        pl.kernel,
        mesh=mesh,
        compiler_params=pltpu.CompilerParams(needs_layout_passes=False),
        out_type=jax.ShapeDtypeStruct((DIM, n), jnp.float32),
        scratch_types=[
            pltpu.VMEM((BLOCK,), jnp.int32),
            pltpu.VMEM((BLOCK,), jnp.int32),
            pltpu.VMEM((DIM, BLOCK), jnp.float32),
            pltpu.VMEM((DIM, BLOCK), jnp.float32),
            pltpu.VMEM((16 * REP,), jnp.float32),
            pltpu.VMEM((table_flat.shape[0],), jnp.float32),
            pltpu.SemaphoreType.DMA,
            pltpu.SemaphoreType.DMA,
            pltpu.SemaphoreType.DMA,
            pltpu.SemaphoreType.DMA,
        ],
    )(functools.partial(_gather_kernel, nb))
    return k(species, table_flat).T

# --- scband reference (transcript-rebuilt; emitter-appended) ---
"""Pipeline reference for scband-species-encoding-49563922596661 (READ-ONLY COPY).

The authoritative reference and input builder live on the scoring server;
editing this copy changes nothing except your own understanding.
"""

import jax, jax.numpy as jnp
import numpy as np

DIM = 16
ZMAX = 50
ZMAXPAD = ZMAX + 2
N_ATOMS = 4000000

def setup_inputs(seed: int = 0) -> dict:
    key = jax.random.key(seed)
    k_sp, k_enc = jax.random.split(key)
    species = jax.random.randint(k_sp, (N_ATOMS,), 0, ZMAXPAD, dtype=jnp.int64 if jax.config.jax_enable_x64 else jnp.int32)
    # 'random' encoding param: standardized gaussian table of shape (zmaxpad, dim)
    rand_encoding = jax.nn.standardize(jax.random.normal(k_enc, (ZMAXPAD, DIM), dtype=jnp.float32))
    return {"species": species, "rand_encoding": rand_encoding}

def reference(species, rand_encoding):
    # SpeciesEncoding with encoding='random': conv_tensor = rand_encoding; out = conv_tensor[species]
    conv_tensor = rand_encoding
    out = jnp.take(conv_tensor, species, axis=0)
    return out

if __name__ == "__main__":
    import jax
    _d = setup_inputs()
    print(jax.jit(kernel)(*tuple(_d.values())))

</pallas_src>

<mosaic_0001>
#map = affine_map<(d0, d1) -> (0)>
#map1 = affine_map<(d0, d1) -> (0, 0)>
module attributes {stable_mosaic.version = 14 : i64} {
  func.func @_gather_kernel(%arg0: i32, %arg1: i32, %arg2: memref<4000000xi32, #tpu.memory_space<hbm>>, %arg3: memref<832xf32, #tpu.memory_space<hbm>>, %arg4: memref<16x4000000xf32, #tpu.memory_space<hbm>>, %arg5: memref<3200xi32, #tpu.memory_space<vmem>>, %arg6: memref<3200xi32, #tpu.memory_space<vmem>>, %arg7: memref<16x3200xf32, #tpu.memory_space<vmem>>, %arg8: memref<16x3200xf32, #tpu.memory_space<vmem>>, %arg9: memref<13328xf32, #tpu.memory_space<vmem>>, %arg10: memref<832xf32, #tpu.memory_space<vmem>>, %arg11: memref<!tpu.dma_semaphore, #tpu.memory_space<semaphore_mem>>, %arg12: memref<!tpu.dma_semaphore, #tpu.memory_space<semaphore_mem>>, %arg13: memref<!tpu.dma_semaphore, #tpu.memory_space<semaphore_mem>>, %arg14: memref<!tpu.dma_semaphore, #tpu.memory_space<semaphore_mem>>) attributes {dimension_semantics = [#tpu.dimension_semantics<core_parallel>, #tpu.dimension_semantics<subcore_parallel>], iteration_bounds = array<i64: 2, 16>, scalar_prefetch = 0 : i64, scratch_operands = 10 : i64, tpu.core_type = #tpu.core_type<sc_vector_subcore>, window_params = [{transform_indices = #map}, {transform_indices = #map}, {transform_indices = #map1}]} {
    %mul3A = arith.constant 2 : i32
    %mul3A_0 = arith.muli %arg1, %mul3A : i32
    %add3A = arith.addi %mul3A_0, %arg0 : i32
    "tpu.region"() ({
      %run_scoped3A = tpu.sem_alloc : memref<!tpu.dma_semaphore, #tpu.memory_space<semaphore_mem>>
      tpu.enqueue_dma source(%arg3 : memref<832xf32, #tpu.memory_space<hbm>>) target(%arg10 : memref<832xf32, #tpu.memory_space<vmem>>) target_semaphore(%run_scoped3A : memref<!tpu.dma_semaphore, #tpu.memory_space<semaphore_mem>>)
      tpu.wait_dma2 semaphore(%run_scoped3A : memref<!tpu.dma_semaphore, #tpu.memory_space<semaphore_mem>>) src(%arg3 : memref<832xf32, #tpu.memory_space<hbm>>) dst(%arg10 : memref<832xf32, #tpu.memory_space<vmem>>)
      tpu.yield
    }) : () -> ()
    %scan3A = arith.constant 0 : i32
    %scan3A_1 = arith.constant 52 : i32
    %scan3A_2 = arith.addi %scan3A, %scan3A_1 : i32
    %scan3A_3 = arith.constant 1 : i32
    scf.for %scan3A_32 = %scan3A to %scan3A_2 step %scan3A_3  : i32 {
      %mul3A_33 = arith.constant 16 : i32
      %mul3A_34 = arith.muli %scan3A_32, %mul3A_33 : i32
      %get3A = arith.index_cast %mul3A_34 : i32 to index
      %get3A_35 = tpu.vector_load %arg10[%get3A] {strides = array<i32>} : memref<832xf32, #tpu.memory_space<vmem>>, vector<16xf32>,
      %add3A_36 = arith.constant 0 : i32
      %add3A_37 = arith.addi %mul3A_34, %add3A_36 : i32
      %swap3A = arith.index_cast %add3A_37 : i32 to index
      %swap3A_38 = tpu.vector_load %arg9[%swap3A] {strides = array<i32>} : memref<13328xf32, #tpu.memory_space<vmem>>, vector<16xf32>,
      tpu.vector_store %arg9[%swap3A], %get3A_35 {strides = array<i32>} : memref<13328xf32, #tpu.memory_space<vmem>>, vector<16xf32>,
      %add3A_39 = arith.constant 833 : i32
      %add3A_40 = arith.addi %mul3A_34, %add3A_39 : i32
      %swap3A_41 = arith.index_cast %add3A_40 : i32 to index
      %swap3A_42 = tpu.vector_load %arg9[%swap3A_41] {strides = array<i32>} : memref<13328xf32, #tpu.memory_space<vmem>>, vector<16xf32>,
      tpu.vector_store %arg9[%swap3A_41], %get3A_35 {strides = array<i32>} : memref<13328xf32, #tpu.memory_space<vmem>>, vector<16xf32>,
      %add3A_43 = arith.constant 1666 : i32
      %add3A_44 = arith.addi %mul3A_34, %add3A_43 : i32
      %swap3A_45 = arith.index_cast %add3A_44 : i32 to index
      %swap3A_46 = tpu.vector_load %arg9[%swap3A_45] {strides = array<i32>} : memref<13328xf32, #tpu.memory_space<vmem>>, vector<16xf32>,
      tpu.vector_store %arg9[%swap3A_45], %get3A_35 {strides = array<i32>} : memref<13328xf32, #tpu.memory_space<vmem>>, vector<16xf32>,
      %add3A_47 = arith.constant 2499 : i32
      %add3A_48 = arith.addi %mul3A_34, %add3A_47 : i32
      %swap3A_49 = arith.index_cast %add3A_48 : i32 to index
      %swap3A_50 = tpu.vector_load %arg9[%swap3A_49] {strides = array<i32>} : memref<13328xf32, #tpu.memory_space<vmem>>, vector<16xf32>,
      tpu.vector_store %arg9[%swap3A_49], %get3A_35 {strides = array<i32>} : memref<13328xf32, #tpu.memory_space<vmem>>, vector<16xf32>,
      %add3A_51 = arith.constant 3332 : i32
      %add3A_52 = arith.addi %mul3A_34, %add3A_51 : i32
      %swap3A_53 = arith.index_cast %add3A_52 : i32 to index
      %swap3A_54 = tpu.vector_load %arg9[%swap3A_53] {strides = array<i32>} : memref<13328xf32, #tpu.memory_space<vmem>>, vector<16xf32>,
      tpu.vector_store %arg9[%swap3A_53], %get3A_35 {strides = array<i32>} : memref<13328xf32, #tpu.memory_space<vmem>>, vector<16xf32>,
      %add3A_55 = arith.constant 4165 : i32
      %add3A_56 = arith.addi %mul3A_34, %add3A_55 : i32
      %swap3A_57 = arith.index_cast %add3A_56 : i32 to index
      %swap3A_58 = tpu.vector_load %arg9[%swap3A_57] {strides = array<i32>} : memref<13328xf32, #tpu.memory_space<vmem>>, vector<16xf32>,
      tpu.vector_store %arg9[%swap3A_57], %get3A_35 {strides = array<i32>} : memref<13328xf32, #tpu.memory_space<vmem>>, vector<16xf32>,
      %add3A_59 = arith.constant 4998 : i32
      %add3A_60 = arith.addi %mul3A_34, %add3A_59 : i32
      %swap3A_61 = arith.index_cast %add3A_60 : i32 to index
      %swap3A_62 = tpu.vector_load %arg9[%swap3A_61] {strides = array<i32>} : memref<13328xf32, #tpu.memory_space<vmem>>, vector<16xf32>,
      tpu.vector_store %arg9[%swap3A_61], %get3A_35 {strides = array<i32>} : memref<13328xf32, #tpu.memory_space<vmem>>, vector<16xf32>,
      %add3A_63 = arith.constant 5831 : i32
      %add3A_64 = arith.addi %mul3A_34, %add3A_63 : i32
      %swap3A_65 = arith.index_cast %add3A_64 : i32 to index
      %swap3A_66 = tpu.vector_load %arg9[%swap3A_65] {strides = array<i32>} : memref<13328xf32, #tpu.memory_space<vmem>>, vector<16xf32>,
      tpu.vector_store %arg9[%swap3A_65], %get3A_35 {strides = array<i32>} : memref<13328xf32, #tpu.memory_space<vmem>>, vector<16xf32>,
      %add3A_67 = arith.constant 6664 : i32
      %add3A_68 = arith.addi %mul3A_34, %add3A_67 : i32
      %swap3A_69 = arith.index_cast %add3A_68 : i32 to index
      %swap3A_70 = tpu.vector_load %arg9[%swap3A_69] {strides = array<i32>} : memref<13328xf32, #tpu.memory_space<vmem>>, vector<16xf32>,
      tpu.vector_store %arg9[%swap3A_69], %get3A_35 {strides = array<i32>} : memref<13328xf32, #tpu.memory_space<vmem>>, vector<16xf32>,
      %add3A_71 = arith.constant 7497 : i32
      %add3A_72 = arith.addi %mul3A_34, %add3A_71 : i32
      %swap3A_73 = arith.index_cast %add3A_72 : i32 to index
      %swap3A_74 = tpu.vector_load %arg9[%swap3A_73] {strides = array<i32>} : memref<13328xf32, #tpu.memory_space<vmem>>, vector<16xf32>,
      tpu.vector_store %arg9[%swap3A_73], %get3A_35 {strides = array<i32>} : memref<13328xf32, #tpu.memory_space<vmem>>, vector<16xf32>,
      %add3A_75 = arith.constant 8330 : i32
      %add3A_76 = arith.addi %mul3A_34, %add3A_75 : i32
      %swap3A_77 = arith.index_cast %add3A_76 : i32 to index
      %swap3A_78 = tpu.vector_load %arg9[%swap3A_77] {strides = array<i32>} : memref<13328xf32, #tpu.memory_space<vmem>>, vector<16xf32>,
      tpu.vector_store %arg9[%swap3A_77], %get3A_35 {strides = array<i32>} : memref<13328xf32, #tpu.memory_space<vmem>>, vector<16xf32>,
      %add3A_79 = arith.constant 9163 : i32
      %add3A_80 = arith.addi %mul3A_34, %add3A_79 : i32
      %swap3A_81 = arith.index_cast %add3A_80 : i32 to index
      %swap3A_82 = tpu.vector_load %arg9[%swap3A_81] {strides = array<i32>} : memref<13328xf32, #tpu.memory_space<vmem>>, vector<16xf32>,
      tpu.vector_store %arg9[%swap3A_81], %get3A_35 {strides = array<i32>} : memref<13328xf32, #tpu.memory_space<vmem>>, vector<16xf32>,
      %add3A_83 = arith.constant 9996 : i32
      %add3A_84 = arith.addi %mul3A_34, %add3A_83 : i32
      %swap3A_85 = arith.index_cast %add3A_84 : i32 to index
      %swap3A_86 = tpu.vector_load %arg9[%swap3A_85] {strides = array<i32>} : memref<13328xf32, #tpu.memory_space<vmem>>, vector<16xf32>,
      tpu.vector_store %arg9[%swap3A_85], %get3A_35 {strides = array<i32>} : memref<13328xf32, #tpu.memory_space<vmem>>, vector<16xf32>,
      %add3A_87 = arith.constant 10829 : i32
      %add3A_88 = arith.addi %mul3A_34, %add3A_87 : i32
      %swap3A_89 = arith.index_cast %add3A_88 : i32 to index
      %swap3A_90 = tpu.vector_load %arg9[%swap3A_89] {strides = array<i32>} : memref<13328xf32, #tpu.memory_space<vmem>>, vector<16xf32>,
      tpu.vector_store %arg9[%swap3A_89], %get3A_35 {strides = array<i32>} : memref<13328xf32, #tpu.memory_space<vmem>>, vector<16xf32>,
      %add3A_91 = arith.constant 11662 : i32
      %add3A_92 = arith.addi %mul3A_34, %add3A_91 : i32
      %swap3A_93 = arith.index_cast %add3A_92 : i32 to index
      %swap3A_94 = tpu.vector_load %arg9[%swap3A_93] {strides = array<i32>} : memref<13328xf32, #tpu.memory_space<vmem>>, vector<16xf32>,
      tpu.vector_store %arg9[%swap3A_93], %get3A_35 {strides = array<i32>} : memref<13328xf32, #tpu.memory_space<vmem>>, vector<16xf32>,
      %add3A_95 = arith.constant 12495 : i32
      %add3A_96 = arith.addi %mul3A_34, %add3A_95 : i32
      %swap3A_97 = arith.index_cast %add3A_96 : i32 to index
      %swap3A_98 = tpu.vector_load %arg9[%swap3A_97] {strides = array<i32>} : memref<13328xf32, #tpu.memory_space<vmem>>, vector<16xf32>,
      tpu.vector_store %arg9[%swap3A_97], %get3A_35 {strides = array<i32>} : memref<13328xf32, #tpu.memory_space<vmem>>, vector<16xf32>,
    }
    %scan3A_4 = arith.constant 52 : i32
    %iota3A = tpu.iota {dimensions = array<i32: 0>} : vector<16xi32>
    %mul3A_5 = arith.constant 833 : i32
    %mul3A_6 = vector.broadcast %mul3A_5 : i32 to vector<16xi32>
    %mul3A_7 = arith.muli %iota3A, %mul3A_6 : vector<16xi32>
    %add3A_8 = arith.constant 0 : i32
    %add3A_9 = arith.addi %add3A, %add3A_8 : i32
    %lt3A = arith.constant 1250 : i32
    %lt3A_10 = arith.cmpi slt, %add3A_9, %lt3A : i32
    %convert_element_type3A = arith.extui %lt3A_10 : i1 to i32
    %cond3A = arith.constant 0 : i32
    %cond3A_11 = arith.cmpi ne, %convert_element_type3A, %cond3A : i32
    scf.if %cond3A_11 {
      %add3A_32 = arith.constant 0 : i32
      %add3A_33 = arith.addi %add3A, %add3A_32 : i32
      %mul3A_34 = arith.constant 3200 : i32
      %mul3A_35 = arith.muli %add3A_33, %mul3A_34 : i32
      %dma_start3A = tpu.memref_slice %arg2[%mul3A_35] : memref<4000000xi32, #tpu.memory_space<hbm>> -> memref<3200xi32, #tpu.memory_space<hbm>>
      %dma_start3A_36 = tpu.memref_slice %arg2[%mul3A_35] : memref<4000000xi32, #tpu.memory_space<hbm>> -> memref<3200xi32, #tpu.memory_space<hbm>>
      tpu.enqueue_dma source(%dma_start3A_36 : memref<3200xi32, #tpu.memory_space<hbm>>) target(%arg5 : memref<3200xi32, #tpu.memory_space<vmem>>) target_semaphore(%arg11 : memref<!tpu.dma_semaphore, #tpu.memory_space<semaphore_mem>>)
    } else {
    }
    %scan3A_12 = arith.constant 0 : i32
    %scan3A_13 = arith.constant 20 : i32
    %scan3A_14 = arith.addi %scan3A_12, %scan3A_13 : i32
    %scan3A_15 = arith.constant 1 : i32
    scf.for %scan3A_32 = %scan3A_12 to %scan3A_14 step %scan3A_15  : i32 {
      %mul3A_33 = arith.constant 2 : i32
      %mul3A_34 = arith.muli %scan3A_32, %mul3A_33 : i32
      %add3A_35 = arith.constant 0 : i32
      %add3A_36 = arith.addi %mul3A_34, %add3A_35 : i32
      %add3A_37 = arith.constant 1 : i32
      %add3A_38 = arith.addi %add3A_36, %add3A_37 : i32
      %mul3A_39 = arith.constant 32 : i32
      %mul3A_40 = arith.muli %mul3A_39, %add3A_38 : i32
      %add3A_41 = arith.addi %add3A, %mul3A_40 : i32
      %lt3A_42 = arith.constant 1250 : i32
      %lt3A_43 = arith.cmpi slt, %add3A_41, %lt3A_42 : i32
      %convert_element_type3A_44 = arith.extui %lt3A_43 : i1 to i32
      %cond3A_45 = arith.constant 0 : i32
      %cond3A_46 = arith.cmpi ne, %convert_element_type3A_44, %cond3A_45 : i32
      scf.if %cond3A_46 {
        %add3A_75 = arith.constant 1 : i32
        %add3A_76 = arith.addi %add3A_36, %add3A_75 : i32
        %mul3A_77 = arith.constant 32 : i32
        %mul3A_78 = arith.muli %mul3A_77, %add3A_76 : i32
        %add3A_79 = arith.addi %add3A, %mul3A_78 : i32
        %mul3A_80 = arith.constant 3200 : i32
        %mul3A_81 = arith.muli %add3A_79, %mul3A_80 : i32
        %dma_start3A = tpu.memref_slice %arg2[%mul3A_81] : memref<4000000xi32, #tpu.memory_space<hbm>> -> memref<3200xi32, #tpu.memory_space<hbm>>
        %dma_start3A_82 = tpu.memref_slice %arg2[%mul3A_81] : memref<4000000xi32, #tpu.memory_space<hbm>> -> memref<3200xi32, #tpu.memory_space<hbm>>
        tpu.enqueue_dma source(%dma_start3A_82 : memref<3200xi32, #tpu.memory_space<hbm>>) target(%arg6 : memref<3200xi32, #tpu.memory_space<vmem>>) target_semaphore(%arg12 : memref<!tpu.dma_semaphore, #tpu.memory_space<semaphore_mem>>)
      } else {
      }
      %mul3A_47 = arith.constant 32 : i32
      %mul3A_48 = arith.muli %mul3A_47, %add3A_36 : i32
      %add3A_49 = arith.addi %add3A, %mul3A_48 : i32
      %lt3A_50 = arith.constant 1250 : i32
      %lt3A_51 = arith.cmpi slt, %add3A_49, %lt3A_50 : i32
      %convert_element_type3A_52 = arith.extui %lt3A_51 : i1 to i32
      %cond3A_53 = arith.constant 0 : i32
      %cond3A_54 = arith.cmpi ne, %convert_element_type3A_52, %cond3A_53 : i32
      scf.if %cond3A_54 {
        %mul3A_75 = arith.constant 32 : i32
        %mul3A_76 = arith.muli %mul3A_75, %add3A_36 : i32
        %add3A_77 = arith.addi %add3A, %mul3A_76 : i32
        %mul3A_78 = arith.constant 3200 : i32
        %mul3A_79 = arith.muli %add3A_77, %mul3A_78 : i32
        %dma_wait3A_80 = tpu.memref_slice %arg2[%mul3A_79] : memref<4000000xi32, #tpu.memory_space<hbm>> -> memref<3200xi32, #tpu.memory_space<hbm>>
        %dma_wait3A_81 = tpu.memref_slice %arg2[%mul3A_79] : memref<4000000xi32, #tpu.memory_space<hbm>> -> memref<3200xi32, #tpu.memory_space<hbm>>
        tpu.wait_dma2 semaphore(%arg11 : memref<!tpu.dma_semaphore, #tpu.memory_space<semaphore_mem>>) src(%dma_wait3A_81 : memref<3200xi32, #tpu.memory_space<hbm>>) dst(%arg5 : memref<3200xi32, #tpu.memory_space<vmem>>)
        %ge3A = arith.constant 2 : i32
        %ge3A_82 = arith.cmpi sge, %add3A_36, %ge3A : i32
        %convert_element_type3A_83 = arith.extui %ge3A_82 : i1 to i32
        %cond3A_84 = arith.constant 0 : i32
        %cond3A_85 = arith.cmpi ne, %convert_element_type3A_83, %cond3A_84 : i32
        scf.if %cond3A_85 {
          %sub3A = arith.constant 2 : i32
          %sub3A_96 = arith.subi %add3A_36, %sub3A : i32
          %mul3A_97 = arith.constant 32 : i32
          %mul3A_98 = arith.muli %mul3A_97, %sub3A_96 : i32
          %add3A_99 = arith.addi %add3A, %mul3A_98 : i32
          %mul3A_100 = arith.constant 3200 : i32
          %mul3A_101 = arith.muli %add3A_99, %mul3A_100 : i32
          %dma_wait3A_102 = arith.constant 0 : i32
          %dma_wait3A_103 = tpu.memref_slice %arg4[%dma_wait3A_102, %mul3A_101] : memref<16x4000000xf32, #tpu.memory_space<hbm>> -> memref<16x3200xf32, #tpu.memory_space<hbm>>
          %dma_wait3A_104 = arith.constant 0 : i32
          %dma_wait3A_105 = tpu.memref_slice %arg4[%dma_wait3A_104, %mul3A_101] : memref<16x4000000xf32, #tpu.memory_space<hbm>> -> memref<16x3200xf32, #tpu.memory_space<hbm>>
          tpu.wait_dma2 semaphore(%arg13 : memref<!tpu.dma_semaphore, #tpu.memory_space<semaphore_mem>>) src(%arg7 : memref<16x3200xf32, #tpu.memory_space<vmem>>) dst(%dma_wait3A_105 : memref<16x3200xf32, #tpu.memory_space<hbm>>)
        } else {
        }
        %parallel_loop3A = arith.constant 0 : i32
        %parallel_loop3A_86 = arith.constant 200 : i32
        %parallel_loop3A_87 = arith.constant 1 : i32
        scf.for %parallel_loop3A_96 = %parallel_loop3A to %parallel_loop3A_86 step %parallel_loop3A_87  : i32 {
          %parallel_loop3A_97 = arith.constant 16 : i32
          %parallel_loop3A_98 = arith.muli %parallel_loop3A_96, %parallel_loop3A_97 : i32
          %parallel_loop3A_99 = arith.index_cast %parallel_loop3A_98 : i32 to index
          %parallel_loop3A_100 = tpu.vector_load %arg5[%parallel_loop3A_99] {strides = array<i32>} : memref<3200xi32, #tpu.memory_space<vmem>>, vector<16xi32>,
          %parallel_loop3A_101 = arith.constant 16 : i32
          %parallel_loop3A_102 = vector.broadcast %parallel_loop3A_101 : i32 to vector<16xi32>
          %parallel_loop3A_103 = arith.muli %parallel_loop3A_100, %parallel_loop3A_102 : vector<16xi32>
          %parallel_loop3A_104 = arith.addi %parallel_loop3A_103, %mul3A_7 : vector<16xi32>
          %parallel_loop3A_105 = arith.constant 0 : i32
          %parallel_loop3A_106 = vector.broadcast %parallel_loop3A_105 : i32 to vector<16xi32>
          %parallel_loop3A_107 = arith.addi %parallel_loop3A_104, %parallel_loop3A_106 : vector<16xi32>
          %parallel_loop3A_108 = tpu.vector_load_idx %arg9[%parallel_loop3A_107] : memref<13328xf32, #tpu.memory_space<vmem>>[vector<16xi32>], vector<16xf32>,
          %parallel_loop3A_109 = arith.constant 1 : i32
          %parallel_loop3A_110 = vector.broadcast %parallel_loop3A_109 : i32 to vector<16xi32>
          %parallel_loop3A_111 = arith.addi %parallel_loop3A_104, %parallel_loop3A_110 : vector<16xi32>
          %parallel_loop3A_112 = tpu.vector_load_idx %arg9[%parallel_loop3A_111] : memref<13328xf32, #tpu.memory_space<vmem>>[vector<16xi32>], vector<16xf32>,
          %parallel_loop3A_113 = arith.constant 2 : i32
          %parallel_loop3A_114 = vector.broadcast %parallel_loop3A_113 : i32 to vector<16xi32>
          %parallel_loop3A_115 = arith.addi %parallel_loop3A_104, %parallel_loop3A_114 : vector<16xi32>
          %parallel_loop3A_116 = tpu.vector_load_idx %arg9[%parallel_loop3A_115] : memref<13328xf32, #tpu.memory_space<vmem>>[vector<16xi32>], vector<16xf32>,
          %parallel_loop3A_117 = arith.constant 3 : i32
          %parallel_loop3A_118 = vector.broadcast %parallel_loop3A_117 : i32 to vector<16xi32>
          %parallel_loop3A_119 = arith.addi %parallel_loop3A_104, %parallel_loop3A_118 : vector<16xi32>
          %parallel_loop3A_120 = tpu.vector_load_idx %arg9[%parallel_loop3A_119] : memref<13328xf32, #tpu.memory_space<vmem>>[vector<16xi32>], vector<16xf32>,
          %parallel_loop3A_121 = arith.constant 4 : i32
          %parallel_loop3A_122 = vector.broadcast %parallel_loop3A_121 : i32 to vector<16xi32>
          %parallel_loop3A_123 = arith.addi %parallel_loop3A_104, %parallel_loop3A_122 : vector<16xi32>
          %parallel_loop3A_124 = tpu.vector_load_idx %arg9[%parallel_loop3A_123] : memref<13328xf32, #tpu.memory_space<vmem>>[vector<16xi32>], vector<16xf32>,
          %parallel_loop3A_125 = arith.constant 5 : i32
          %parallel_loop3A_126 = vector.broadcast %parallel_loop3A_125 : i32 to vector<16xi32>
          %parallel_loop3A_127 = arith.addi %parallel_loop3A_104, %parallel_loop3A_126 : vector<16xi32>
          %parallel_loop3A_128 = tpu.vector_load_idx %arg9[%parallel_loop3A_127] : memref<13328xf32, #tpu.memory_space<vmem>>[vector<16xi32>], vector<16xf32>,
          %parallel_loop3A_129 = arith.constant 6 : i32
          %parallel_loop3A_130 = vector.broadcast %parallel_loop3A_129 : i32 to vector<16xi32>
          %parallel_loop3A_131 = arith.addi %parallel_loop3A_104, %parallel_loop3A_130 : vector<16xi32>
          %parallel_loop3A_132 = tpu.vector_load_idx %arg9[%parallel_loop3A_131] : memref<13328xf32, #tpu.memory_space<vmem>>[vector<16xi32>], vector<16xf32>,
          %parallel_loop3A_133 = arith.constant 7 : i32
          %parallel_loop3A_134 = vector.broadcast %parallel_loop3A_133 : i32 to vector<16xi32>
          %parallel_loop3A_135 = arith.addi %parallel_loop3A_104, %parallel_loop3A_134 : vector<16xi32>
          %parallel_loop3A_136 = tpu.vector_load_idx %arg9[%parallel_loop3A_135] : memref<13328xf32, #tpu.memory_space<vmem>>[vector<16xi32>], vector<16xf32>,
          %parallel_loop3A_137 = arith.constant 8 : i32
          %parallel_loop3A_138 = vector.broadcast %parallel_loop3A_137 : i32 to vector<16xi32>
          %parallel_loop3A_139 = arith.addi %parallel_loop3A_104, %parallel_loop3A_138 : vector<16xi32>
          %parallel_loop3A_140 = tpu.vector_load_idx %arg9[%parallel_loop3A_139] : memref<13328xf32, #tpu.memory_space<vmem>>[vector<16xi32>], vector<16xf32>,
          %parallel_loop3A_141 = arith.constant 9 : i32
          %parallel_loop3A_142 = vector.broadcast %parallel_loop3A_141 : i32 to vector<16xi32>
          %parallel_loop3A_143 = arith.addi %parallel_loop3A_104, %parallel_loop3A_142 : vector<16xi32>
          %parallel_loop3A_144 = tpu.vector_load_idx %arg9[%parallel_loop3A_143] : memref<13328xf32, #tpu.memory_space<vmem>>[vector<16xi32>], vector<16xf32>,
          %parallel_loop3A_145 = arith.constant 10 : i32
          %parallel_loop3A_146 = vector.broadcast %parallel_loop3A_145 : i32 to vector<16xi32>
          %parallel_loop3A_147 = arith.addi %parallel_loop3A_104, %parallel_loop3A_146 : vector<16xi32>
          %parallel_loop3A_148 = tpu.vector_load_idx %arg9[%parallel_loop3A_147] : memref<13328xf32, #tpu.memory_space<vmem>>[vector<16xi32>], vector<16xf32>,
          %parallel_loop3A_149 = arith.constant 11 : i32
          %parallel_loop3A_150 = vector.broadcast %parallel_loop3A_149 : i32 to vector<16xi32>
          %parallel_loop3A_151 = arith.addi %parallel_loop3A_104, %parallel_loop3A_150 : vector<16xi32>
          %parallel_loop3A_152 = tpu.vector_load_idx %arg9[%parallel_loop3A_151] : memref<13328xf32, #tpu.memory_space<vmem>>[vector<16xi32>], vector<16xf32>,
          %parallel_loop3A_153 = arith.constant 12 : i32
          %parallel_loop3A_154 = vector.broadcast %parallel_loop3A_153 : i32 to vector<16xi32>
          %parallel_loop3A_155 = arith.addi %parallel_loop3A_104, %parallel_loop3A_154 : vector<16xi32>
          %parallel_loop3A_156 = tpu.vector_load_idx %arg9[%parallel_loop3A_155] : memref<13328xf32, #tpu.memory_space<vmem>>[vector<16xi32>], vector<16xf32>,
          %parallel_loop3A_157 = arith.constant 13 : i32
          %parallel_loop3A_158 = vector.broadcast %parallel_loop3A_157 : i32 to vector<16xi32>
          %parallel_loop3A_159 = arith.addi %parallel_loop3A_104, %parallel_loop3A_158 : vector<16xi32>
          %parallel_loop3A_160 = tpu.vector_load_idx %arg9[%parallel_loop3A_159] : memref<13328xf32, #tpu.memory_space<vmem>>[vector<16xi32>], vector<16xf32>,
          %parallel_loop3A_161 = arith.constant 14 : i32
          %parallel_loop3A_162 = vector.broadcast %parallel_loop3A_161 : i32 to vector<16xi32>
          %parallel_loop3A_163 = arith.addi %parallel_loop3A_104, %parallel_loop3A_162 : vector<16xi32>
          %parallel_loop3A_164 = tpu.vector_load_idx %arg9[%parallel_loop3A_163] : memref<13328xf32, #tpu.memory_space<vmem>>[vector<16xi32>], vector<16xf32>,
          %parallel_loop3A_165 = arith.constant 15 : i32
          %parallel_loop3A_166 = vector.broadcast %parallel_loop3A_165 : i32 to vector<16xi32>
          %parallel_loop3A_167 = arith.addi %parallel_loop3A_104, %parallel_loop3A_166 : vector<16xi32>
          %parallel_loop3A_168 = tpu.vector_load_idx %arg9[%parallel_loop3A_167] : memref<13328xf32, #tpu.memory_space<vmem>>[vector<16xi32>], vector<16xf32>,
          %parallel_loop3A_169 = arith.constant 0 : i32
          %parallel_loop3A_170 = arith.index_cast %parallel_loop3A_169 : i32 to index
          %parallel_loop3A_171 = arith.index_cast %parallel_loop3A_98 : i32 to index
          %parallel_loop3A_172 = tpu.vector_load %arg7[%parallel_loop3A_170, %parallel_loop3A_171] {strides = array<i32>} : memref<16x3200xf32, #tpu.memory_space<vmem>>, vector<16xf32>,
          tpu.vector_store %arg7[%parallel_loop3A_170, %parallel_loop3A_171], %parallel_loop3A_108 {strides = array<i32>} : memref<16x3200xf32, #tpu.memory_space<vmem>>, vector<16xf32>,
          %parallel_loop3A_173 = arith.constant 1 : i32
          %parallel_loop3A_174 = arith.index_cast %parallel_loop3A_173 : i32 to index
          %parallel_loop3A_175 = arith.index_cast %parallel_loop3A_98 : i32 to index
          %parallel_loop3A_176 = tpu.vector_load %arg7[%parallel_loop3A_174, %parallel_loop3A_175] {strides = array<i32>} : memref<16x3200xf32, #tpu.memory_space<vmem>>, vector<16xf32>,
          tpu.vector_store %arg7[%parallel_loop3A_174, %parallel_loop3A_175], %parallel_loop3A_112 {strides = array<i32>} : memref<16x3200xf32, #tpu.memory_space<vmem>>, vector<16xf32>,
          %parallel_loop3A_177 = arith.constant 2 : i32
          %parallel_loop3A_178 = arith.index_cast %parallel_loop3A_177 : i32 to index
          %parallel_loop3A_179 = arith.index_cast %parallel_loop3A_98 : i32 to index
          %parallel_loop3A_180 = tpu.vector_load %arg7[%parallel_loop3A_178, %parallel_loop3A_179] {strides = array<i32>} : memref<16x3200xf32, #tpu.memory_space<vmem>>, vector<16xf32>,
          tpu.vector_store %arg7[%parallel_loop3A_178, %parallel_loop3A_179], %parallel_loop3A_116 {strides = array<i32>} : memref<16x3200xf32, #tpu.memory_space<vmem>>, vector<16xf32>,
          %parallel_loop3A_181 = arith.constant 3 : i32
          %parallel_loop3A_182 = arith.index_cast %parallel_loop3A_181 : i32 to index
          %parallel_loop3A_183 = arith.index_cast %parallel_loop3A_98 : i32 to index
          %parallel_loop3A_184 = tpu.vector_load %arg7[%parallel_loop3A_182, %parallel_loop3A_183] {strides = array<i32>} : memref<16x3200xf32, #tpu.memory_space<vmem>>, vector<16xf32>,
          tpu.vector_store %arg7[%parallel_loop3A_182, %parallel_loop3A_183], %parallel_loop3A_120 {strides = array<i32>} : memref<16x3200xf32, #tpu.memory_space<vmem>>, vector<16xf32>,
          %parallel_loop3A_185 = arith.constant 4 : i32
          %parallel_loop3A_186 = arith.index_cast %parallel_loop3A_185 : i32 to index
          %parallel_loop3A_187 = arith.index_cast %parallel_loop3A_98 : i32 to index
          %parallel_loop3A_188 = tpu.vector_load %arg7[%parallel_loop3A_186, %parallel_loop3A_187] {strides = array<i32>} : memref<16x3200xf32, #tpu.memory_space<vmem>>, vector<16xf32>,
          tpu.vector_store %arg7[%parallel_loop3A_186, %parallel_loop3A_187], %parallel_loop3A_124 {strides = array<i32>} : memref<16x3200xf32, #tpu.memory_space<vmem>>, vector<16xf32>,
          %parallel_loop3A_189 = arith.constant 5 : i32
          %parallel_loop3A_190 = arith.index_cast %parallel_loop3A_189 : i32 to index
          %parallel_loop3A_191 = arith.index_cast %parallel_loop3A_98 : i32 to index
          %parallel_loop3A_192 = tpu.vector_load %arg7[%parallel_loop3A_190, %parallel_loop3A_191] {strides = array<i32>} : memref<16x3200xf32, #tpu.memory_space<vmem>>, vector<16xf32>,
          tpu.vector_store %arg7[%parallel_loop3A_190, %parallel_loop3A_191], %parallel_loop3A_128 {strides = array<i32>} : memref<16x3200xf32, #tpu.memory_space<vmem>>, vector<16xf32>,
          %parallel_loop3A_193 = arith.constant 6 : i32
          %parallel_loop3A_194 = arith.index_cast %parallel_loop3A_193 : i32 to index
          %parallel_loop3A_195 = arith.index_cast %parallel_loop3A_98 : i32 to index
          %parallel_loop3A_196 = tpu.vector_load %arg7[%parallel_loop3A_194, %parallel_loop3A_195] {strides = array<i32>} : memref<16x3200xf32, #tpu.memory_space<vmem>>, vector<16xf32>,
          tpu.vector_store %arg7[%parallel_loop3A_194, %parallel_loop3A_195], %parallel_loop3A_132 {strides = array<i32>} : memref<16x3200xf32, #tpu.memory_space<vmem>>, vector<16xf32>,
          %parallel_loop3A_197 = arith.constant 7 : i32
          %parallel_loop3A_198 = arith.index_cast %parallel_loop3A_197 : i32 to index
          %parallel_loop3A_199 = arith.index_cast %parallel_loop3A_98 : i32 to index
          %parallel_loop3A_200 = tpu.vector_load %arg7[%parallel_loop3A_198, %parallel_loop3A_199] {strides = array<i32>} : memref<16x3200xf32, #tpu.memory_space<vmem>>, vector<16xf32>,
          tpu.vector_store %arg7[%parallel_loop3A_198, %parallel_loop3A_199], %parallel_loop3A_136 {strides = array<i32>} : memref<16x3200xf32, #tpu.memory_space<vmem>>, vector<16xf32>,
          %parallel_loop3A_201 = arith.constant 8 : i32
          %parallel_loop3A_202 = arith.index_cast %parallel_loop3A_201 : i32 to index
          %parallel_loop3A_203 = arith.index_cast %parallel_loop3A_98 : i32 to index
          %parallel_loop3A_204 = tpu.vector_load %arg7[%parallel_loop3A_202, %parallel_loop3A_203] {strides = array<i32>} : memref<16x3200xf32, #tpu.memory_space<vmem>>, vector<16xf32>,
          tpu.vector_store %arg7[%parallel_loop3A_202, %parallel_loop3A_203], %parallel_loop3A_140 {strides = array<i32>} : memref<16x3200xf32, #tpu.memory_space<vmem>>, vector<16xf32>,
          %parallel_loop3A_205 = arith.constant 9 : i32
          %parallel_loop3A_206 = arith.index_cast %parallel_loop3A_205 : i32 to index
          %parallel_loop3A_207 = arith.index_cast %parallel_loop3A_98 : i32 to index
          %parallel_loop3A_208 = tpu.vector_load %arg7[%parallel_loop3A_206, %parallel_loop3A_207] {strides = array<i32>} : memref<16x3200xf32, #tpu.memory_space<vmem>>, vector<16xf32>,
          tpu.vector_store %arg7[%parallel_loop3A_206, %parallel_loop3A_207], %parallel_loop3A_144 {strides = array<i32>} : memref<16x3200xf32, #tpu.memory_space<vmem>>, vector<16xf32>,
          %parallel_loop3A_209 = arith.constant 10 : i32
          %parallel_loop3A_210 = arith.index_cast %parallel_loop3A_209 : i32 to index
          %parallel_loop3A_211 = arith.index_cast %parallel_loop3A_98 : i32 to index
          %parallel_loop3A_212 = tpu.vector_load %arg7[%parallel_loop3A_210, %parallel_loop3A_211] {strides = array<i32>} : memref<16x3200xf32, #tpu.memory_space<vmem>>, vector<16xf32>,
          tpu.vector_store %arg7[%parallel_loop3A_210, %parallel_loop3A_211], %parallel_loop3A_148 {strides = array<i32>} : memref<16x3200xf32, #tpu.memory_space<vmem>>, vector<16xf32>,
          %parallel_loop3A_213 = arith.constant 11 : i32
          %parallel_loop3A_214 = arith.index_cast %parallel_loop3A_213 : i32 to index
          %parallel_loop3A_215 = arith.index_cast %parallel_loop3A_98 : i32 to index
          %parallel_loop3A_216 = tpu.vector_load %arg7[%parallel_loop3A_214, %parallel_loop3A_215] {strides = array<i32>} : memref<16x3200xf32, #tpu.memory_space<vmem>>, vector<16xf32>,
          tpu.vector_store %arg7[%parallel_loop3A_214, %parallel_loop3A_215], %parallel_loop3A_152 {strides = array<i32>} : memref<16x3200xf32, #tpu.memory_space<vmem>>, vector<16xf32>,
          %parallel_loop3A_217 = arith.constant 12 : i32
          %parallel_loop3A_218 = arith.index_cast %parallel_loop3A_217 : i32 to index
          %parallel_loop3A_219 = arith.index_cast %parallel_loop3A_98 : i32 to index
          %parallel_loop3A_220 = tpu.vector_load %arg7[%parallel_loop3A_218, %parallel_loop3A_219] {strides = array<i32>} : memref<16x3200xf32, #tpu.memory_space<vmem>>, vector<16xf32>,
          tpu.vector_store %arg7[%parallel_loop3A_218, %parallel_loop3A_219], %parallel_loop3A_156 {strides = array<i32>} : memref<16x3200xf32, #tpu.memory_space<vmem>>, vector<16xf32>,
          %parallel_loop3A_221 = arith.constant 13 : i32
          %parallel_loop3A_222 = arith.index_cast %parallel_loop3A_221 : i32 to index
          %parallel_loop3A_223 = arith.index_cast %parallel_loop3A_98 : i32 to index
          %parallel_loop3A_224 = tpu.vector_load %arg7[%parallel_loop3A_222, %parallel_loop3A_223] {strides = array<i32>} : memref<16x3200xf32, #tpu.memory_space<vmem>>, vector<16xf32>,
          tpu.vector_store %arg7[%parallel_loop3A_222, %parallel_loop3A_223], %parallel_loop3A_160 {strides = array<i32>} : memref<16x3200xf32, #tpu.memory_space<vmem>>, vector<16xf32>,
          %parallel_loop3A_225 = arith.constant 14 : i32
          %parallel_loop3A_226 = arith.index_cast %parallel_loop3A_225 : i32 to index
          %parallel_loop3A_227 = arith.index_cast %parallel_loop3A_98 : i32 to index
          %parallel_loop3A_228 = tpu.vector_load %arg7[%parallel_loop3A_226, %parallel_loop3A_227] {strides = array<i32>} : memref<16x3200xf32, #tpu.memory_space<vmem>>, vector<16xf32>,
          tpu.vector_store %arg7[%parallel_loop3A_226, %parallel_loop3A_227], %parallel_loop3A_164 {strides = array<i32>} : memref<16x3200xf32, #tpu.memory_space<vmem>>, vector<16xf32>,
          %parallel_loop3A_229 = arith.constant 15 : i32
          %parallel_loop3A_230 = arith.index_cast %parallel_loop3A_229 : i32 to index
          %parallel_loop3A_231 = arith.index_cast %parallel_loop3A_98 : i32 to index
          %parallel_loop3A_232 = tpu.vector_load %arg7[%parallel_loop3A_230, %parallel_loop3A_231] {strides = array<i32>} : memref<16x3200xf32, #tpu.memory_space<vmem>>, vector<16xf32>,
          tpu.vector_store %arg7[%parallel_loop3A_230, %parallel_loop3A_231], %parallel_loop3A_168 {strides = array<i32>} : memref<16x3200xf32, #tpu.memory_space<vmem>>, vector<16xf32>,
        } {sc.loop_unroll_factor = 2 : i64, sc.parallel_access}
        %mul3A_88 = arith.constant 32 : i32
        %mul3A_89 = arith.muli %mul3A_88, %add3A_36 : i32
        %add3A_90 = arith.addi %add3A, %mul3A_89 : i32
        %mul3A_91 = arith.constant 3200 : i32
        %mul3A_92 = arith.muli %add3A_90, %mul3A_91 : i32
        %dma_start3A = arith.constant 0 : i32
        %dma_start3A_93 = tpu.memref_slice %arg4[%dma_start3A, %mul3A_92] : memref<16x4000000xf32, #tpu.memory_space<hbm>> -> memref<16x3200xf32, #tpu.memory_space<hbm>>
        %dma_start3A_94 = arith.constant 0 : i32
        %dma_start3A_95 = tpu.memref_slice %arg4[%dma_start3A_94, %mul3A_92] : memref<16x4000000xf32, #tpu.memory_space<hbm>> -> memref<16x3200xf32, #tpu.memory_space<hbm>>
        tpu.enqueue_dma source(%arg7 : memref<16x3200xf32, #tpu.memory_space<vmem>>) target(%dma_start3A_95 : memref<16x3200xf32, #tpu.memory_space<hbm>>) target_semaphore(%arg13 : memref<!tpu.dma_semaphore, #tpu.memory_space<semaphore_mem>>)
      } else {
      }
      %add3A_55 = arith.constant 1 : i32
      %add3A_56 = arith.addi %mul3A_34, %add3A_55 : i32
      %add3A_57 = arith.constant 1 : i32
      %add3A_58 = arith.addi %add3A_56, %add3A_57 : i32
      %mul3A_59 = arith.constant 32 : i32
      %mul3A_60 = arith.muli %mul3A_59, %add3A_58 : i32
      %add3A_61 = arith.addi %add3A, %mul3A_60 : i32
      %lt3A_62 = arith.constant 1250 : i32
      %lt3A_63 = arith.cmpi slt, %add3A_61, %lt3A_62 : i32
      %convert_element_type3A_64 = arith.extui %lt3A_63 : i1 to i32
      %cond3A_65 = arith.constant 0 : i32
      %cond3A_66 = arith.cmpi ne, %convert_element_type3A_64, %cond3A_65 : i32
      scf.if %cond3A_66 {
        %add3A_75 = arith.constant 1 : i32
        %add3A_76 = arith.addi %add3A_56, %add3A_75 : i32
        %mul3A_77 = arith.constant 32 : i32
        %mul3A_78 = arith.muli %mul3A_77, %add3A_76 : i32
        %add3A_79 = arith.addi %add3A, %mul3A_78 : i32
        %mul3A_80 = arith.constant 3200 : i32
        %mul3A_81 = arith.muli %add3A_79, %mul3A_80 : i32
        %dma_start3A = tpu.memref_slice %arg2[%mul3A_81] : memref<4000000xi32, #tpu.memory_space<hbm>> -> memref<3200xi32, #tpu.memory_space<hbm>>
        %dma_start3A_82 = tpu.memref_slice %arg2[%mul3A_81] : memref<4000000xi32, #tpu.memory_space<hbm>> -> memref<3200xi32, #tpu.memory_space<hbm>>
        tpu.enqueue_dma source(%dma_start3A_82 : memref<3200xi32, #tpu.memory_space<hbm>>) target(%arg5 : memref<3200xi32, #tpu.memory_space<vmem>>) target_semaphore(%arg11 : memref<!tpu.dma_semaphore, #tpu.memory_space<semaphore_mem>>)
      } else {
      }
      %mul3A_67 = arith.constant 32 : i32
      %mul3A_68 = arith.muli %mul3A_67, %add3A_56 : i32
      %add3A_69 = arith.addi %add3A, %mul3A_68 : i32
      %lt3A_70 = arith.constant 1250 : i32
      %lt3A_71 = arith.cmpi slt, %add3A_69, %lt3A_70 : i32
      %convert_element_type3A_72 = arith.extui %lt3A_71 : i1 to i32
      %cond3A_73 = arith.constant 0 : i32
      %cond3A_74 = arith.cmpi ne, %convert_element_type3A_72, %cond3A_73 : i32
      scf.if %cond3A_74 {
        %mul3A_75 = arith.constant 32 : i32
        %mul3A_76 = arith.muli %mul3A_75, %add3A_56 : i32
        %add3A_77 = arith.addi %add3A, %mul3A_76 : i32
        %mul3A_78 = arith.constant 3200 : i32
        %mul3A_79 = arith.muli %add3A_77, %mul3A_78 : i32
        %dma_wait3A_80 = tpu.memref_slice %arg2[%mul3A_79] : memref<4000000xi32, #tpu.memory_space<hbm>> -> memref<3200xi32, #tpu.memory_space<hbm>>
        %dma_wait3A_81 = tpu.memref_slice %arg2[%mul3A_79] : memref<4000000xi32, #tpu.memory_space<hbm>> -> memref<3200xi32, #tpu.memory_space<hbm>>
        tpu.wait_dma2 semaphore(%arg12 : memref<!tpu.dma_semaphore, #tpu.memory_space<semaphore_mem>>) src(%dma_wait3A_81 : memref<3200xi32, #tpu.memory_space<hbm>>) dst(%arg6 : memref<3200xi32, #tpu.memory_space<vmem>>)
        %ge3A = arith.constant 2 : i32
        %ge3A_82 = arith.cmpi sge, %add3A_56, %ge3A : i32
        %convert_element_type3A_83 = arith.extui %ge3A_82 : i1 to i32
        %cond3A_84 = arith.constant 0 : i32
        %cond3A_85 = arith.cmpi ne, %convert_element_type3A_83, %cond3A_84 : i32
        scf.if %cond3A_85 {
          %sub3A = arith.constant 2 : i32
          %sub3A_96 = arith.subi %add3A_56, %sub3A : i32
          %mul3A_97 = arith.constant 32 : i32
          %mul3A_98 = arith.muli %mul3A_97, %sub3A_96 : i32
          %add3A_99 = arith.addi %add3A, %mul3A_98 : i32
          %mul3A_100 = arith.constant 3200 : i32
          %mul3A_101 = arith.muli %add3A_99, %mul3A_100 : i32
          %dma_wait3A_102 = arith.constant 0 : i32
          %dma_wait3A_103 = tpu.memref_slice %arg4[%dma_wait3A_102, %mul3A_101] : memref<16x4000000xf32, #tpu.memory_space<hbm>> -> memref<16x3200xf32, #tpu.memory_space<hbm>>
          %dma_wait3A_104 = arith.constant 0 : i32
          %dma_wait3A_105 = tpu.memref_slice %arg4[%dma_wait3A_104, %mul3A_101] : memref<16x4000000xf32, #tpu.memory_space<hbm>> -> memref<16x3200xf32, #tpu.memory_space<hbm>>
          tpu.wait_dma2 semaphore(%arg14 : memref<!tpu.dma_semaphore, #tpu.memory_space<semaphore_mem>>) src(%arg8 : memref<16x3200xf32, #tpu.memory_space<vmem>>) dst(%dma_wait3A_105 : memref<16x3200xf32, #tpu.memory_space<hbm>>)
        } else {
        }
        %parallel_loop3A = arith.constant 0 : i32
        %parallel_loop3A_86 = arith.constant 200 : i32
        %parallel_loop3A_87 = arith.constant 1 : i32
        scf.for %parallel_loop3A_96 = %parallel_loop3A to %parallel_loop3A_86 step %parallel_loop3A_87  : i32 {
          %parallel_loop3A_97 = arith.constant 16 : i32
          %parallel_loop3A_98 = arith.muli %parallel_loop3A_96, %parallel_loop3A_97 : i32
          %parallel_loop3A_99 = arith.index_cast %parallel_loop3A_98 : i32 to index
          %parallel_loop3A_100 = tpu.vector_load %arg6[%parallel_loop3A_99] {strides = array<i32>} : memref<3200xi32, #tpu.memory_space<vmem>>, vector<16xi32>,
          %parallel_loop3A_101 = arith.constant 16 : i32
          %parallel_loop3A_102 = vector.broadcast %parallel_loop3A_101 : i32 to vector<16xi32>
          %parallel_loop3A_103 = arith.muli %parallel_loop3A_100, %parallel_loop3A_102 : vector<16xi32>
          %parallel_loop3A_104 = arith.addi %parallel_loop3A_103, %mul3A_7 : vector<16xi32>
          %parallel_loop3A_105 = arith.constant 0 : i32
          %parallel_loop3A_106 = vector.broadcast %parallel_loop3A_105 : i32 to vector<16xi32>
          %parallel_loop3A_107 = arith.addi %parallel_loop3A_104, %parallel_loop3A_106 : vector<16xi32>
          %parallel_loop3A_108 = tpu.vector_load_idx %arg9[%parallel_loop3A_107] : memref<13328xf32, #tpu.memory_space<vmem>>[vector<16xi32>], vector<16xf32>,
          %parallel_loop3A_109 = arith.constant 1 : i32
          %parallel_loop3A_110 = vector.broadcast %parallel_loop3A_109 : i32 to vector<16xi32>
          %parallel_loop3A_111 = arith.addi %parallel_loop3A_104, %parallel_loop3A_110 : vector<16xi32>
          %parallel_loop3A_112 = tpu.vector_load_idx %arg9[%parallel_loop3A_111] : memref<13328xf32, #tpu.memory_space<vmem>>[vector<16xi32>], vector<16xf32>,
          %parallel_loop3A_113 = arith.constant 2 : i32
          %parallel_loop3A_114 = vector.broadcast %parallel_loop3A_113 : i32 to vector<16xi32>
          %parallel_loop3A_115 = arith.addi %parallel_loop3A_104, %parallel_loop3A_114 : vector<16xi32>
          %parallel_loop3A_116 = tpu.vector_load_idx %arg9[%parallel_loop3A_115] : memref<13328xf32, #tpu.memory_space<vmem>>[vector<16xi32>], vector<16xf32>,
          %parallel_loop3A_117 = arith.constant 3 : i32
          %parallel_loop3A_118 = vector.broadcast %parallel_loop3A_117 : i32 to vector<16xi32>
          %parallel_loop3A_119 = arith.addi %parallel_loop3A_104, %parallel_loop3A_118 : vector<16xi32>
          %parallel_loop3A_120 = tpu.vector_load_idx %arg9[%parallel_loop3A_119] : memref<13328xf32, #tpu.memory_space<vmem>>[vector<16xi32>], vector<16xf32>,
          %parallel_loop3A_121 = arith.constant 4 : i32
          %parallel_loop3A_122 = vector.broadcast %parallel_loop3A_121 : i32 to vector<16xi32>
          %parallel_loop3A_123 = arith.addi %parallel_loop3A_104, %parallel_loop3A_122 : vector<16xi32>
          %parallel_loop3A_124 = tpu.vector_load_idx %arg9[%parallel_loop3A_123] : memref<13328xf32, #tpu.memory_space<vmem>>[vector<16xi32>], vector<16xf32>,
          %parallel_loop3A_125 = arith.constant 5 : i32
          %parallel_loop3A_126 = vector.broadcast %parallel_loop3A_125 : i32 to vector<16xi32>
          %parallel_loop3A_127 = arith.addi %parallel_loop3A_104, %parallel_loop3A_126 : vector<16xi32>
          %parallel_loop3A_128 = tpu.vector_load_idx %arg9[%parallel_loop3A_127] : memref<13328xf32, #tpu.memory_space<vmem>>[vector<16xi32>], vector<16xf32>,
          %parallel_loop3A_129 = arith.constant 6 : i32
          %parallel_loop3A_130 = vector.broadcast %parallel_loop3A_129 : i32 to vector<16xi32>
          %parallel_loop3A_131 = arith.addi %parallel_loop3A_104, %parallel_loop3A_130 : vector<16xi32>
          %parallel_loop3A_132 = tpu.vector_load_idx %arg9[%parallel_loop3A_131] : memref<13328xf32, #tpu.memory_space<vmem>>[vector<16xi32>], vector<16xf32>,
          %parallel_loop3A_133 = arith.constant 7 : i32
          %parallel_loop3A_134 = vector.broadcast %parallel_loop3A_133 : i32 to vector<16xi32>
          %parallel_loop3A_135 = arith.addi %parallel_loop3A_104, %parallel_loop3A_134 : vector<16xi32>
          %parallel_loop3A_136 = tpu.vector_load_idx %arg9[%parallel_loop3A_135] : memref<13328xf32, #tpu.memory_space<vmem>>[vector<16xi32>], vector<16xf32>,
          %parallel_loop3A_137 = arith.constant 8 : i32
          %parallel_loop3A_138 = vector.broadcast %parallel_loop3A_137 : i32 to vector<16xi32>
          %parallel_loop3A_139 = arith.addi %parallel_loop3A_104, %parallel_loop3A_138 : vector<16xi32>
          %parallel_loop3A_140 = tpu.vector_load_idx %arg9[%parallel_loop3A_139] : memref<13328xf32, #tpu.memory_space<vmem>>[vector<16xi32>], vector<16xf32>,
          %parallel_loop3A_141 = arith.constant 9 : i32
          %parallel_loop3A_142 = vector.broadcast %parallel_loop3A_141 : i32 to vector<16xi32>
          %parallel_loop3A_143 = arith.addi %parallel_loop3A_104, %parallel_loop3A_142 : vector<16xi32>
          %parallel_loop3A_144 = tpu.vector_load_idx %arg9[%parallel_loop3A_143] : memref<13328xf32, #tpu.memory_space<vmem>>[vector<16xi32>], vector<16xf32>,
          %parallel_loop3A_145 = arith.constant 10 : i32
          %parallel_loop3A_146 = vector.broadcast %parallel_loop3A_145 : i32 to vector<16xi32>
          %parallel_loop3A_147 = arith.addi %parallel_loop3A_104, %parallel_loop3A_146 : vector<16xi32>
          %parallel_loop3A_148 = tpu.vector_load_idx %arg9[%parallel_loop3A_147] : memref<13328xf32, #tpu.memory_space<vmem>>[vector<16xi32>], vector<16xf32>,
          %parallel_loop3A_149 = arith.constant 11 : i32
          %parallel_loop3A_150 = vector.broadcast %parallel_loop3A_149 : i32 to vector<16xi32>
          %parallel_loop3A_151 = arith.addi %parallel_loop3A_104, %parallel_loop3A_150 : vector<16xi32>
          %parallel_loop3A_152 = tpu.vector_load_idx %arg9[%parallel_loop3A_151] : memref<13328xf32, #tpu.memory_space<vmem>>[vector<16xi32>], vector<16xf32>,
          %parallel_loop3A_153 = arith.constant 12 : i32
          %parallel_loop3A_154 = vector.broadcast %parallel_loop3A_153 : i32 to vector<16xi32>
          %parallel_loop3A_155 = arith.addi %parallel_loop3A_104, %parallel_loop3A_154 : vector<16xi32>
          %parallel_loop3A_156 = tpu.vector_load_idx %arg9[%parallel_loop3A_155] : memref<13328xf32, #tpu.memory_space<vmem>>[vector<16xi32>], vector<16xf32>,
          %parallel_loop3A_157 = arith.constant 13 : i32
          %parallel_loop3A_158 = vector.broadcast %parallel_loop3A_157 : i32 to vector<16xi32>
          %parallel_loop3A_159 = arith.addi %parallel_loop3A_104, %parallel_loop3A_158 : vector<16xi32>
          %parallel_loop3A_160 = tpu.vector_load_idx %arg9[%parallel_loop3A_159] : memref<13328xf32, #tpu.memory_space<vmem>>[vector<16xi32>], vector<16xf32>,
          %parallel_loop3A_161 = arith.constant 14 : i32
          %parallel_loop3A_162 = vector.broadcast %parallel_loop3A_161 : i32 to vector<16xi32>
          %parallel_loop3A_163 = arith.addi %parallel_loop3A_104, %parallel_loop3A_162 : vector<16xi32>
          %parallel_loop3A_164 = tpu.vector_load_idx %arg9[%parallel_loop3A_163] : memref<13328xf32, #tpu.memory_space<vmem>>[vector<16xi32>], vector<16xf32>,
          %parallel_loop3A_165 = arith.constant 15 : i32
          %parallel_loop3A_166 = vector.broadcast %parallel_loop3A_165 : i32 to vector<16xi32>
          %parallel_loop3A_167 = arith.addi %parallel_loop3A_104, %parallel_loop3A_166 : vector<16xi32>
          %parallel_loop3A_168 = tpu.vector_load_idx %arg9[%parallel_loop3A_167] : memref<13328xf32, #tpu.memory_space<vmem>>[vector<16xi32>], vector<16xf32>,
          %parallel_loop3A_169 = arith.constant 0 : i32
          %parallel_loop3A_170 = arith.index_cast %parallel_loop3A_169 : i32 to index
          %parallel_loop3A_171 = arith.index_cast %parallel_loop3A_98 : i32 to index
          %parallel_loop3A_172 = tpu.vector_load %arg8[%parallel_loop3A_170, %parallel_loop3A_171] {strides = array<i32>} : memref<16x3200xf32, #tpu.memory_space<vmem>>, vector<16xf32>,
          tpu.vector_store %arg8[%parallel_loop3A_170, %parallel_loop3A_171], %parallel_loop3A_108 {strides = array<i32>} : memref<16x3200xf32, #tpu.memory_space<vmem>>, vector<16xf32>,
          %parallel_loop3A_173 = arith.constant 1 : i32
          %parallel_loop3A_174 = arith.index_cast %parallel_loop3A_173 : i32 to index
          %parallel_loop3A_175 = arith.index_cast %parallel_loop3A_98 : i32 to index
          %parallel_loop3A_176 = tpu.vector_load %arg8[%parallel_loop3A_174, %parallel_loop3A_175] {strides = array<i32>} : memref<16x3200xf32, #tpu.memory_space<vmem>>, vector<16xf32>,
          tpu.vector_store %arg8[%parallel_loop3A_174, %parallel_loop3A_175], %parallel_loop3A_112 {strides = array<i32>} : memref<16x3200xf32, #tpu.memory_space<vmem>>, vector<16xf32>,
          %parallel_loop3A_177 = arith.constant 2 : i32
          %parallel_loop3A_178 = arith.index_cast %parallel_loop3A_177 : i32 to index
          %parallel_loop3A_179 = arith.index_cast %parallel_loop3A_98 : i32 to index
          %parallel_loop3A_180 = tpu.vector_load %arg8[%parallel_loop3A_178, %parallel_loop3A_179] {strides = array<i32>} : memref<16x3200xf32, #tpu.memory_space<vmem>>, vector<16xf32>,
          tpu.vector_store %arg8[%parallel_loop3A_178, %parallel_loop3A_179], %parallel_loop3A_116 {strides = array<i32>} : memref<16x3200xf32, #tpu.memory_space<vmem>>, vector<16xf32>,
          %parallel_loop3A_181 = arith.constant 3 : i32
          %parallel_loop3A_182 = arith.index_cast %parallel_loop3A_181 : i32 to index
          %parallel_loop3A_183 = arith.index_cast %parallel_loop3A_98 : i32 to index
          %parallel_loop3A_184 = tpu.vector_load %arg8[%parallel_loop3A_182, %parallel_loop3A_183] {strides = array<i32>} : memref<16x3200xf32, #tpu.memory_space<vmem>>, vector<16xf32>,
          tpu.vector_store %arg8[%parallel_loop3A_182, %parallel_loop3A_183], %parallel_loop3A_120 {strides = array<i32>} : memref<16x3200xf32, #tpu.memory_space<vmem>>, vector<16xf32>,
          %parallel_loop3A_185 = arith.constant 4 : i32
          %parallel_loop3A_186 = arith.index_cast %parallel_loop3A_185 : i32 to index
          %parallel_loop3A_187 = arith.index_cast %parallel_loop3A_98 : i32 to index
          %parallel_loop3A_188 = tpu.vector_load %arg8[%parallel_loop3A_186, %parallel_loop3A_187] {strides = array<i32>} : memref<16x3200xf32, #tpu.memory_space<vmem>>, vector<16xf32>,
          tpu.vector_store %arg8[%parallel_loop3A_186, %parallel_loop3A_187], %parallel_loop3A_124 {strides = array<i32>} : memref<16x3200xf32, #tpu.memory_space<vmem>>, vector<16xf32>,
          %parallel_loop3A_189 = arith.constant 5 : i32
          %parallel_loop3A_190 = arith.index_cast %parallel_loop3A_189 : i32 to index
          %parallel_loop3A_191 = arith.index_cast %parallel_loop3A_98 : i32 to index
          %parallel_loop3A_192 = tpu.vector_load %arg8[%parallel_loop3A_190, %parallel_loop3A_191] {strides = array<i32>} : memref<16x3200xf32, #tpu.memory_space<vmem>>, vector<16xf32>,
          tpu.vector_store %arg8[%parallel_loop3A_190, %parallel_loop3A_191], %parallel_loop3A_128 {strides = array<i32>} : memref<16x3200xf32, #tpu.memory_space<vmem>>, vector<16xf32>,
          %parallel_loop3A_193 = arith.constant 6 : i32
          %parallel_loop3A_194 = arith.index_cast %parallel_loop3A_193 : i32 to index
          %parallel_loop3A_195 = arith.index_cast %parallel_loop3A_98 : i32 to index
          %parallel_loop3A_196 = tpu.vector_load %arg8[%parallel_loop3A_194, %parallel_loop3A_195] {strides = array<i32>} : memref<16x3200xf32, #tpu.memory_space<vmem>>, vector<16xf32>,
          tpu.vector_store %arg8[%parallel_loop3A_194, %parallel_loop3A_195], %parallel_loop3A_132 {strides = array<i32>} : memref<16x3200xf32, #tpu.memory_space<vmem>>, vector<16xf32>,
          %parallel_loop3A_197 = arith.constant 7 : i32
          %parallel_loop3A_198 = arith.index_cast %parallel_loop3A_197 : i32 to index
          %parallel_loop3A_199 = arith.index_cast %parallel_loop3A_98 : i32 to index
          %parallel_loop3A_200 = tpu.vector_load %arg8[%parallel_loop3A_198, %parallel_loop3A_199] {strides = array<i32>} : memref<16x3200xf32, #tpu.memory_space<vmem>>, vector<16xf32>,
          tpu.vector_store %arg8[%parallel_loop3A_198, %parallel_loop3A_199], %parallel_loop3A_136 {strides = array<i32>} : memref<16x3200xf32, #tpu.memory_space<vmem>>, vector<16xf32>,
          %parallel_loop3A_201 = arith.constant 8 : i32
          %parallel_loop3A_202 = arith.index_cast %parallel_loop3A_201 : i32 to index
          %parallel_loop3A_203 = arith.index_cast %parallel_loop3A_98 : i32 to index
          %parallel_loop3A_204 = tpu.vector_load %arg8[%parallel_loop3A_202, %parallel_loop3A_203] {strides = array<i32>} : memref<16x3200xf32, #tpu.memory_space<vmem>>, vector<16xf32>,
          tpu.vector_store %arg8[%parallel_loop3A_202, %parallel_loop3A_203], %parallel_loop3A_140 {strides = array<i32>} : memref<16x3200xf32, #tpu.memory_space<vmem>>, vector<16xf32>,
          %parallel_loop3A_205 = arith.constant 9 : i32
          %parallel_loop3A_206 = arith.index_cast %parallel_loop3A_205 : i32 to index
          %parallel_loop3A_207 = arith.index_cast %parallel_loop3A_98 : i32 to index
          %parallel_loop3A_208 = tpu.vector_load %arg8[%parallel_loop3A_206, %parallel_loop3A_207] {strides = array<i32>} : memref<16x3200xf32, #tpu.memory_space<vmem>>, vector<16xf32>,
          tpu.vector_store %arg8[%parallel_loop3A_206, %parallel_loop3A_207], %parallel_loop3A_144 {strides = array<i32>} : memref<16x3200xf32, #tpu.memory_space<vmem>>, vector<16xf32>,
          %parallel_loop3A_209 = arith.constant 10 : i32
          %parallel_loop3A_210 = arith.index_cast %parallel_loop3A_209 : i32 to index
          %parallel_loop3A_211 = arith.index_cast %parallel_loop3A_98 : i32 to index
          %parallel_loop3A_212 = tpu.vector_load %arg8[%parallel_loop3A_210, %parallel_loop3A_211] {strides = array<i32>} : memref<16x3200xf32, #tpu.memory_space<vmem>>, vector<16xf32>,
          tpu.vector_store %arg8[%parallel_loop3A_210, %parallel_loop3A_211], %parallel_loop3A_148 {strides = array<i32>} : memref<16x3200xf32, #tpu.memory_space<vmem>>, vector<16xf32>,
          %parallel_loop3A_213 = arith.constant 11 : i32
          %parallel_loop3A_214 = arith.index_cast %parallel_loop3A_213 : i32 to index
          %parallel_loop3A_215 = arith.index_cast %parallel_loop3A_98 : i32 to index
          %parallel_loop3A_216 = tpu.vector_load %arg8[%parallel_loop3A_214, %parallel_loop3A_215] {strides = array<i32>} : memref<16x3200xf32, #tpu.memory_space<vmem>>, vector<16xf32>,
          tpu.vector_store %arg8[%parallel_loop3A_214, %parallel_loop3A_215], %parallel_loop3A_152 {strides = array<i32>} : memref<16x3200xf32, #tpu.memory_space<vmem>>, vector<16xf32>,
          %parallel_loop3A_217 = arith.constant 12 : i32
          %parallel_loop3A_218 = arith.index_cast %parallel_loop3A_217 : i32 to index
          %parallel_loop3A_219 = arith.index_cast %parallel_loop3A_98 : i32 to index
          %parallel_loop3A_220 = tpu.vector_load %arg8[%parallel_loop3A_218, %parallel_loop3A_219] {strides = array<i32>} : memref<16x3200xf32, #tpu.memory_space<vmem>>, vector<16xf32>,
          tpu.vector_store %arg8[%parallel_loop3A_218, %parallel_loop3A_219], %parallel_loop3A_156 {strides = array<i32>} : memref<16x3200xf32, #tpu.memory_space<vmem>>, vector<16xf32>,
          %parallel_loop3A_221 = arith.constant 13 : i32
          %parallel_loop3A_222 = arith.index_cast %parallel_loop3A_221 : i32 to index
          %parallel_loop3A_223 = arith.index_cast %parallel_loop3A_98 : i32 to index
          %parallel_loop3A_224 = tpu.vector_load %arg8[%parallel_loop3A_222, %parallel_loop3A_223] {strides = array<i32>} : memref<16x3200xf32, #tpu.memory_space<vmem>>, vector<16xf32>,
          tpu.vector_store %arg8[%parallel_loop3A_222, %parallel_loop3A_223], %parallel_loop3A_160 {strides = array<i32>} : memref<16x3200xf32, #tpu.memory_space<vmem>>, vector<16xf32>,
          %parallel_loop3A_225 = arith.constant 14 : i32
          %parallel_loop3A_226 = arith.index_cast %parallel_loop3A_225 : i32 to index
          %parallel_loop3A_227 = arith.index_cast %parallel_loop3A_98 : i32 to index
          %parallel_loop3A_228 = tpu.vector_load %arg8[%parallel_loop3A_226, %parallel_loop3A_227] {strides = array<i32>} : memref<16x3200xf32, #tpu.memory_space<vmem>>, vector<16xf32>,
          tpu.vector_store %arg8[%parallel_loop3A_226, %parallel_loop3A_227], %parallel_loop3A_164 {strides = array<i32>} : memref<16x3200xf32, #tpu.memory_space<vmem>>, vector<16xf32>,
          %parallel_loop3A_229 = arith.constant 15 : i32
          %parallel_loop3A_230 = arith.index_cast %parallel_loop3A_229 : i32 to index
          %parallel_loop3A_231 = arith.index_cast %parallel_loop3A_98 : i32 to index
          %parallel_loop3A_232 = tpu.vector_load %arg8[%parallel_loop3A_230, %parallel_loop3A_231] {strides = array<i32>} : memref<16x3200xf32, #tpu.memory_space<vmem>>, vector<16xf32>,
          tpu.vector_store %arg8[%parallel_loop3A_230, %parallel_loop3A_231], %parallel_loop3A_168 {strides = array<i32>} : memref<16x3200xf32, #tpu.memory_space<vmem>>, vector<16xf32>,
        } {sc.loop_unroll_factor = 2 : i64, sc.parallel_access}
        %mul3A_88 = arith.constant 32 : i32
        %mul3A_89 = arith.muli %mul3A_88, %add3A_56 : i32
        %add3A_90 = arith.addi %add3A, %mul3A_89 : i32
        %mul3A_91 = arith.constant 3200 : i32
        %mul3A_92 = arith.muli %add3A_90, %mul3A_91 : i32
        %dma_start3A = arith.constant 0 : i32
        %dma_start3A_93 = tpu.memref_slice %arg4[%dma_start3A, %mul3A_92] : memref<16x4000000xf32, #tpu.memory_space<hbm>> -> memref<16x3200xf32, #tpu.memory_space<hbm>>
        %dma_start3A_94 = arith.constant 0 : i32
        %dma_start3A_95 = tpu.memref_slice %arg4[%dma_start3A_94, %mul3A_92] : memref<16x4000000xf32, #tpu.memory_space<hbm>> -> memref<16x3200xf32, #tpu.memory_space<hbm>>
        tpu.enqueue_dma source(%arg8 : memref<16x3200xf32, #tpu.memory_space<vmem>>) target(%dma_start3A_95 : memref<16x3200xf32, #tpu.memory_space<hbm>>) target_semaphore(%arg14 : memref<!tpu.dma_semaphore, #tpu.memory_space<semaphore_mem>>)
      } else {
      }
    }
    %scan3A_16 = arith.constant 20 : i32
    %add3A_17 = arith.constant 0 : i32
    %add3A_18 = arith.addi %add3A, %add3A_17 : i32
    %mul3A_19 = arith.constant 3200 : i32
    %mul3A_20 = arith.muli %add3A_18, %mul3A_19 : i32
    %dma_wait3A = arith.constant 0 : i32
    %dma_wait3A_21 = tpu.memref_slice %arg4[%dma_wait3A, %mul3A_20] : memref<16x4000000xf32, #tpu.memory_space<hbm>> -> memref<16x3200xf32, #tpu.memory_space<hbm>>
    %dma_wait3A_22 = arith.constant 0 : i32
    %dma_wait3A_23 = tpu.memref_slice %arg4[%dma_wait3A_22, %mul3A_20] : memref<16x4000000xf32, #tpu.memory_space<hbm>> -> memref<16x3200xf32, #tpu.memory_space<hbm>>
    tpu.wait_dma2 semaphore(%arg13 : memref<!tpu.dma_semaphore, #tpu.memory_space<semaphore_mem>>) src(%arg7 : memref<16x3200xf32, #tpu.memory_space<vmem>>) dst(%dma_wait3A_23 : memref<16x3200xf32, #tpu.memory_space<hbm>>)
    %add3A_24 = arith.constant 0 : i32
    %add3A_25 = arith.addi %add3A, %add3A_24 : i32
    %mul3A_26 = arith.constant 3200 : i32
    %mul3A_27 = arith.muli %add3A_25, %mul3A_26 : i32
    %dma_wait3A_28 = arith.constant 0 : i32
    %dma_wait3A_29 = tpu.memref_slice %arg4[%dma_wait3A_28, %mul3A_27] : memref<16x4000000xf32, #tpu.memory_space<hbm>> -> memref<16x3200xf32, #tpu.memory_space<hbm>>
    %dma_wait3A_30 = arith.constant 0 : i32
    %dma_wait3A_31 = tpu.memref_slice %arg4[%dma_wait3A_30, %mul3A_27] : memref<16x4000000xf32, #tpu.memory_space<hbm>> -> memref<16x3200xf32, #tpu.memory_space<hbm>>
    tpu.wait_dma2 semaphore(%arg14 : memref<!tpu.dma_semaphore, #tpu.memory_space<semaphore_mem>>) src(%arg8 : memref<16x3200xf32, #tpu.memory_space<vmem>>) dst(%dma_wait3A_31 : memref<16x3200xf32, #tpu.memory_space<hbm>>)
    return
  }
}

</mosaic_0001>

<sc_bundles>
// kernel: kernel.3.cloned.1.call-start
scs
__scs_entry_jumppad:
0x0: {  	(pc) =	sbr.rel $0x88, $3  }
0x1: {  	(tag) =	ssettag $0x0;
	lr =	simm.s32 $0x1  }
0x2: {  	[smem:$0x3F9F] =	sst lr;
	_ =	strace $0xD0000000  }
0x3: {  	_ = 	snop  }
0x4: {  	_ = 	snop  }
0x5: {  	_ = 	snop  }
0x6: {  	_ = 	snop  }
0x7: {  	_ = 	snop  }
__scs_overlays_trampoline_lowered:
0x8: {  	[smem:$0x3FAE] =	sst s0  }
0x9: {  	[smem:$0x3FAF] =	sst s1  }
0xa: {  	[smem:$0x3FB0] =	sst s2  }
0xb: {  	[smem:$0x3FB1] =	sst s3  }
0xc: {  	[smem:$0x3FB2] =	sst s4  }
0xd: {  	[smem:$0x3FB3] =	sst s5  }
0xe: {  	[smem:$0x3FB4] =	sst s6  }
0xf: {  	[smem:$0x3FB5] =	sst s7  }
0x10: {  	[smem:$0x3FB6] =	sst s8  }
0x11: {  	[smem:$0x3FB7] =	sst s9;
	s0 =	simm.s32 @!p0 $0x0  }
0x12: {  	s1 =	sld [smem:$0x3F9D];
	s0 =	simm.s32 @p0 $0x1  }
0x13: {  	[smem:$0x3FB8] =	sst s0;
	s0 =	simm.s32 @!p1 $0x0  }
0x14: {  	s2 =	sld [smem:$0x3F9C];
	s0 =	simm.s32 @p1 $0x1  }
0x15: {  	[smem:$0x3FB9] =	sst s0;
	s0 =	simm.s32 @!p2 $0x0  }
0x16: {  	s3 =	sld [smem:$0x3FDB];
	s0 =	simm.s32 @p2 $0x1  }
0x17: {  	s4 =	simm.s32 $0x1BF5;
	[smem:$0x3FBB] =	sst s0  }
0x18: {  	s0 =	sld [smem:$0x3F9E];
	_ =	swait.ge [sflag:s4], $0x0  }
0x19: {  	s7 =	sld [smem:$0x3F9F]  }
0x1a: {  	s8 =	sadd.s32 $0xFFFFE003, lr  }
0x1b: {  	s9 =	sadd.s32 $0xFFFFFEF7, lr;
	s5 =	simm.s32 $0xFFFFFFFF;
	p2 =	slt.u32 s8, $0xFFFFF086  }
0x1c: {  	p1 =	slt.u32 s9, $0xF7A;
	s5 =	simm.s32 @!p2 $0x0  }
0x1d: {  	s5 =	simm.s32 @p1 $0x1;
	p0 =	seq.s32 s7, s2  }
0x1e: {  	s7 =	smul.u32 @!p0 $0xF7A, s2;
	p2 =	seq.s32 @!p0 s5, $0x0  }
0x1f: {  	s9 =	smul.u32 $0xF7A, s1;
	s8 =	simm.s32 @!p0 $0x1BF5;
	p2 =	por !p2, p0  }
0x20: {  	[sflag:s8] =	ssyncset.s32 @!p0 $0xFFFFF086;
	s6 =	sadd.s32 @!p0 s3, s7;
	s7 =	simm.s32 @!p0 $0x108  }
0x21: {  	s3 =	sadd.s32 s3, s9;
	s6 =	sadd.s32 @!p0 $0x88, s6;
	s7 =	simm.s32 @p2 $0x1082  }
0x22: {  	[simem:s7], [sflag:s8] =	dma.local @!p0 [hbm:s6], $0xF7A  }
0x23: {  	s9 =	sor.u32 $0xD0000000, s2;
	s6 =	simm.s32 $0x108;
	_ =	swait.ge @!p0 [sflag:s8], $0x0  }
0x24: {  	s3 =	sadd.s32 $0x88, s3;
	s6 =	simm.s32 @!p1 $0x1082;
	[sflag:s4] =	ssyncset.s32 $0xFFFFF086  }
0x25: {  	[simem:s6], [sflag:s4] =	dma.local [hbm:s3], $0xF7A  }
0x26: {  	[smem:$0x3F9F] =	sst s1;
	(tag) =	ssettag s2;
	_ =	strace s9  }
0x27: {  	s1 =	sld [smem:$0x3FAF]  }
0x28: {  	s2 =	sld [smem:$0x3FB0]  }
0x29: {  	s4 =	sld [smem:$0x3FB2]  }
0x2a: {  	p0 =	seq.s32 s5, $0x0;
	s5 =	sld [smem:$0x3FB3]  }
0x2b: {  	s6 =	sld [smem:$0x3FB4]  }
0x2c: {  	s7 =	sld [smem:$0x3FB5]  }
0x2d: {  	s3 =	simm.s32 $0x108;
	s8 =	sld [smem:$0x3FB6]  }
0x2e: {  	s3 =	simm.s32 @!p0 $0x1082;
	s9 =	sld [smem:$0x3FB7]  }
0x2f: {  	lr =	sadd.s32 s0, s3;
	s0 =	sld [smem:$0x3FAE]  }
0x30: {  	s3 =	sld [smem:$0x3FB1]  }
0x31: {  	[smem:$0x3FBA] =	sst s10  }
0x32: {  	s10 =	sld [smem:$0x3FB8];
	_ =	sdelay $0x3  }
0x33: {  	p0 =	seq.s32 s10, $0x1;
	s10 =	sld [smem:$0x3FBA];
	_ =	sdelay $0x3  }
0x34: {  	[smem:$0x3FBA] =	sst s10  }
0x35: {  	s10 =	sld [smem:$0x3FB9];
	_ =	sdelay $0x3  }
0x36: {  	p1 =	seq.s32 s10, $0x1;
	s10 =	sld [smem:$0x3FBA];
	_ =	sdelay $0x3  }
0x37: {  	[smem:$0x3FBA] =	sst s10  }
0x38: {  	s10 =	sld [smem:$0x3FBB]  }
0x39: {  	_ = 	snop;
	(pc) =	sbr.ind lr, $3  }
0x3a: {  	_ = 	snop  }
0x3b: {  	_ = 	snop  }
0x3c: {  	p2 =	seq.s32 s10, $0x1;
	s10 =	sld [smem:$0x3FBA]  }
0x3d: {  	_ =	shalt  }
0x3e: {  	_ =	shalt  }
0x3f: {  	_ =	shalt  }
0x40: {  	_ =	shalt  }
0x41: {  	_ =	shalt  }
0x42: {  	_ =	shalt  }
0x43: {  	_ =	shalt  }
0x44: {  	_ =	shalt  }
0x45: {  	_ =	shalt  }
0x46: {  	_ =	shalt  }
0x47: {  	_ =	shalt  }
0x48: {  	_ =	shalt  }
0x49: {  	_ =	shalt  }
0x4a: {  	_ =	shalt  }
0x4b: {  	_ =	shalt  }
0x4c: {  	_ =	shalt  }
0x4d: {  	_ =	shalt  }
0x4e: {  	_ =	shalt  }
0x4f: {  	_ =	shalt  }
0x50: {  	_ =	shalt  }
0x51: {  	_ =	shalt  }
0x52: {  	_ =	shalt  }
0x53: {  	_ =	shalt  }
0x54: {  	_ =	shalt  }
0x55: {  	_ =	shalt  }
0x56: {  	_ =	shalt  }
0x57: {  	_ =	shalt  }
0x58: {  	_ =	shalt  }
0x59: {  	_ =	shalt  }
0x5a: {  	_ =	shalt  }
0x5b: {  	_ =	shalt  }
0x5c: {  	_ =	shalt  }
0x5d: {  	_ =	shalt  }
0x5e: {  	_ =	shalt  }
0x5f: {  	_ =	shalt  }
0x60: {  	_ =	shalt  }
0x61: {  	_ =	shalt  }
0x62: {  	_ =	shalt  }
0x63: {  	_ =	shalt  }
0x64: {  	_ =	shalt  }
0x65: {  	_ =	shalt  }
0x66: {  	_ =	shalt  }
0x67: {  	_ =	shalt  }
0x68: {  	_ =	shalt  }
0x69: {  	_ =	shalt  }
0x6a: {  	_ =	shalt  }
0x6b: {  	_ =	shalt  }
0x6c: {  	_ =	shalt  }
0x6d: {  	_ =	shalt  }
0x6e: {  	_ =	shalt  }
0x6f: {  	_ =	shalt  }
0x70: {  	_ =	shalt  }
0x71: {  	_ =	shalt  }
0x72: {  	_ =	shalt  }
0x73: {  	_ =	shalt  }
0x74: {  	_ =	shalt  }
0x75: {  	_ =	shalt  }
0x76: {  	_ =	shalt  }
0x77: {  	_ =	shalt  }
0x78: {  	_ =	shalt  }
0x79: {  	_ =	shalt  }
0x7a: {  	_ =	shalt  }
0x7b: {  	_ =	shalt  }
0x7c: {  	_ =	shalt  }
0x7d: {  	_ =	shalt  }
0x7e: {  	_ =	shalt  }
0x7f: {  	_ =	shalt  }
0x80: {  	_ =	shalt  }
0x81: {  	_ =	shalt  }
0x82: {  	_ =	shalt  }
0x83: {  	_ =	shalt  }
0x84: {  	_ =	shalt  }
0x85: {  	_ =	shalt  }
0x86: {  	_ =	shalt  }
0x87: {  	_ =	shalt  }
.Lfunc_end0:
.L_simem_size_0:
called_computation_lowered:
.L_overlay_start_0:
0x88: {  	s2 =	sld [smem:$0x3FD9]  }
0x89: {  	s3 =	sld [smem:$0x3FFE];
	_ =	sdelay $0x1  }
0x8a: {  	s1 =	srdreg.scid  }
0x8b: {  	s0 =	sand.u32 $0x1, s1  }
0x8c: {  	s17 =	sshll.u32 s0, $0xA;
	s2 =	sadd.s32 s3, s2  }
0x8d: {  	s2 =	sadd.s32 s2, s17  }
0x8e: {  	[smem:$0x3FC6] =	sst s2  }
0x8f: {  	_ = 	snop  }
0x90: {  	s2 =	sld [smem:$0x3FC9]  }
0x91: {  	s18 =	sld [smem:$0x3FD0];
	(tm) =	ssettm $0x1  }
0x92: {  	s4 =	sld [smem:$0x3FFB];
	_ =	sdelay $0x3  }
0x93: {  	_ =	strace s4  }
0x94: {  	s4 =	sld [smem:$0x3FFC];
	_ =	sdelay $0x3  }
0x95: {  	_ =	strace s4  }
0x96: {  	s4 =	sld [smem:$0x3FFD];
	_ =	sdelay $0x3  }
0x97: {  	_ =	strace s4  }
0x98: {  	_ =	strace $0x8FFFFFFF  }
0x99: {  	s19 =	sld [smem:$0x3FDB];
	_ =	sdelay $0x1  }
0x9a: {  	s5 =	simm.s32 $_scs_section_size  }
0x9b: {  	s6 =	simm.s32 $_size__tile_overlayer_lowered;
	s7 =	simm.s32 $_tile_overlayer_lowered  }
0x9c: {  	s22 =	simm.s32 $0x1BFF;
	s21 =	sshll.u32 s7, $0x1;
	s4 =	sadd.s32 s5, s19  }
0x9d: {  	s8 =	simm.s32 $0x0;
	s20 =	sshll.u32 s6, $0x1;
	s6 =	sadd.s32 s21, s4  }
0x9e: {  	[timem:s8], [sflag:s22] =	dma.local [hbm:s6], s20  }
0x9f: {  	_ =	swait.ge [sflag:s22], s20  }
0xa0: {  	s5 =	ssub.s32 $0x0, s20;
	[sflag:s22] =	ssyncset.done $0x0  }
0xa1: {  	[sflag:s22] =	ssyncadd.s32 s5;
	_ =	sdelay $0x1  }
0xa2: {  	s23 =	simm.s32 $0x1B8B  }
0xa3: {  	_ =	swait.ge [sflag:s23], $0x1  }
0xa4: {  	[sflag:s23] =	ssyncset.done $0x0  }
0xa5: {  	s25 =	simm.s32 $0x1B8E;
	s24 =	sld [smem:$0x3FFE];
	[sflag:s23] =	ssyncadd.s32 $0xFFFFFFFF  }
0xa6: {  	s26 =	simm.s32 $execute0_lowered;
	[smem:$0x3FD2] =	sst s25  }
0xa7: {  	s6 =	sshll.u32 s26, $0x1;
	_ =	strace $0x80000046;
	[dreg:$0x1] =	wrdreg $0xFFFFFFFF  }
0xa8: {  	s28 =	simm.s32 $_size_execute0_lowered;
	s4 =	sadd.s32 s4, s6;
	[dreg:$0x0] =	wrdreg $0x0  }
0xa9: {  	s6 =	sshll.u32 s28, $0x1;
	[dreg:$0x2] =	wrdreg s4  }
0xaa: {  	[dreg:$0x3] =	wrdreg s6  }
0xab: {  	[dreg:$0x4] =	wrdreg $0xC0  }
0xac: {  	_ =	task [dreg:s8], $0x5FFFF  }
0xad: {  	[dreg:$0x1] =	wrdreg $0xFFFFFFFF  }
0xae: {  	[dreg:$0x0] =	wrdreg $0x60  }
0xaf: {  	[dreg:$0x2] =	wrdreg s2  }
0xb0: {  	[dreg:$0x3] =	wrdreg s24  }
0xb1: {  	[dreg:$0x4] =	wrdreg s18  }
0xb2: {  	[dreg:$0x5] =	wrdreg $0x9  }
0xb3: {  	_ =	task.clear_ibuf [dreg:s8], $0x6FFFF;
	_ =	strace $0x90000046  }
0xb4: {  	s29 =	simm.s32 $0x9;
	_ =	strace $0x80000048  }
0xb5: {  	_ =	swait.ge [sflag:s29], $0x1  }
0xb6: {  	[sflag:s29] =	ssyncadd.s32 $0xFFFFFFFF  }
0xb7: {  	_ =	strace $0x90000048  }
0xb8: {  	_ =	sfence  }
0xb9: {  	s30 =	sld [smem:$0x0];
	_ =	sdelay $0x2  }
0xba: {  	s31 =	sshll.u32 s1, $0xD;
	s1 =	sshrl.u32 s1, $0x2  }
0xbb: {  	s3 =	sand.u32 $0x4000, s31;
	s1 =	sadd.s32 s1, s30  }
0xbc: {  	s0 =	sor.u32 s3, s0;
	s1 =	sshll.u32 s1, $0x11  }
0xbd: {  	s0 =	sor.u32 s1, s0  }
0xbe: {  	s0 =	sadd.s32 $0x8F2B, s0  }
0xbf: {  	[sflag:s0] =	ssyncadd.remote.s32 $0x1  }
0xc0: {  	_ =	sfence.sel $0xFFFF  }
0xc1: {  	[dreg:$0x0] =	wrdreg $0xFFFFFFFF;
	(pc) =	sbr.abs _section_cstart, $3  }
0xc2: {  	[dreg:$0x1] =	wrdreg $0xFFFFFFFF  }
0xc3: {  	_ =	task.clear_ibuf [dreg:s8], $0x2FFFF;
	_ =	strace $0x9FFFFFFF  }
0xc4: {  	(tm) =	ssettm $0x7FFFFFFF  }
0xc5: {  	_ =	shalt  }
tec
execute0_lowered:
.L_overlay_start_1:
0x0: {  	(tag) =	ssettag $0x1  }
0x1: {  	s4 =	rddreg [dreg:$0x0]  }
0x2: {  	s0 =	rddreg [dreg:$0x1]  }
0x3: {  	s1 =	srdreg.scid;
	s2 =	stileid.u32  }
0x4: {  	s5 =	simm.s32 $0x0;
	v0 =	vlaneseq.u32;
	s1 =	sand.u32 $0x1, s1;
	s2 =	sshll.u32 s2, $0x1  }
0x5: {  	[smem:$0x7FF] =	sst s5;
	v0 =	vmul.u32 $0x341, v0;
	s6 =	sor.u32 s1, s2  }
0x6: {  	s0 =	sadd.s32 $0x400, s0;
	s3 =	ssub.s32 $0x2, s1;
	s2 =	smul.u32 $0x190, s6  }
.Ltmp0:
0x7: {  	_ =	strace $0x80000047;
	[smem:$0x7F9] =	sst s0;
	v61 =	vadd.s32 $0x1, v0;
	v2 =	vadd.s32 $0x2, v0;
	v3 =	vadd.s32 $0x3, v0;
	(pc) =	sbr.rel .LBB2_1-.Ltmp0, $4  }
0x8: {  	s28 =	sshrl.u32 s3, $0x1;
	[smem:$0x7FB] =	sst s6;
	s31 =	sor.u32 $0x40, s6;
	v4 =	vadd.s32 $0x4, v0;
	v5 =	vadd.s32 $0x5, v0;
	v6 =	vadd.s32 $0x6, v0  }
0x9: {  	v7 =	vadd.s32 $0x7, v0;
	v8 =	vadd.s32 $0x8, v0;
	v1 =	vadd.s32 $0x9, v0;
	s29 =	ssub.s32 s3, s28;
	[smem:$0x7FC] =	sst s31;
	s30 =	sadd.s32 s4, s2  }
0xa: {  	v9 =	vadd.s32 $0xA, v0;
	v13 =	vadd.s32 $0xB, v0;
	v14 =	vadd.s32 $0xF, v0;
	[tilespmem:$0x1FFE0] =	vst v0;
	s0 =	smax.u32 s29, $0x1;
	[smem:$0x7FA] =	sst s30  }
0xb: {  	s13 =	simm.s32 $0x1A900;
	v12 =	vadd.s32 $0xC, v0;
	v10 =	vadd.s32 $0xD, v0;
	v15 =	vadd.s32 $0xE, v0;
	[tilespmem:$0x1FFF0] =	vst v14;
	s2 =	simm.s32 $0x0;
	[smem:$0x7FD] =	sst s0  }
.LBB2_11:
0xc: {  	s0 =	simm.s32 $0x3  }
0xd: {  	_ =	swait.ge [sflag:s0], $0xC800  }
0xe: {  	[sflag:s0] =	ssyncset.done $0x0  }
0xf: {  	s1 =	simm.s32 $0x4;
	[sflag:s0] =	ssyncadd.s32 $0xFFFF3800  }
0x10: {  	_ =	swait.ge [sflag:s1], $0xC800  }
0x11: {  	s2 =	sld [smem:$0x7F8]  }
0x12: {  	s31 =	sld [smem:$0x7FD];
	_ =	sdelay $0x1  }
0x13: {  	s2 =	sadd.s32 $0x1, s2  }
0x14: {  	p0 =	sne.s32 s2, s31  }
.Ltmp1:
0x15: {  	_ = 	snop;
	(pc) =	sbr.rel @!p0 .LBB2_12-.Ltmp1, $3  }
0x16: {  	_ =	sdelay $0x1  }
0x17: {  	[sflag:s1] =	ssyncset.done $0x0  }
0x18: {  	[sflag:s1] =	ssyncadd.s32 $0xFFFF3800  }
.LBB2_1:
0x19: {  	s1 =	sld [smem:$0x7F9]  }
0x1a: {  	[smem:$0x7F8] =	sst s2  }
0x1b: {  	s0 =	simm.s32 $0x0;
	s30 =	simm.s32 $0x1DD80;
	s31 =	simm.s32 $0x5  }
0x1c: {  	[tilespmem:s30], [sflag:$0x5] =	stream.linear.gather [hbm4b:s1+s0], $0x380, $0x38;
	[tilespmem:$0x1E100] =	vst v63  }
0x1d: {  	_ =	swait.ge [sflag:s31], $0x380  }
0x1e: {  	[sflag:s31] =	ssyncset.done $0x0  }
0x1f: {  	s0 =	simm.s32 $0x0;
	[sflag:s31] =	ssyncadd.s32 $0xFFFFFC80  }
0x20: {  	v16 =	vld [tilespmem:s0+$0x1DD80];
	_ =	sdelay $0x4  }
0x21: {  	[tilespmem:s0+$0x1D9CF] =	vst v16  }
0x22: {  	[tilespmem:s0+$0x1A900] =	vst v16  }
0x23: {  	[tilespmem:s0+$0x1AC41] =	vst v16  }
0x24: {  	[tilespmem:s0+$0x1AF82] =	vst v16  }
0x25: {  	[tilespmem:s0+$0x1B2C3] =	vst v16  }
0x26: {  	[tilespmem:s0+$0x1B604] =	vst v16  }
0x27: {  	[tilespmem:s0+$0x1B945] =	vst v16  }
0x28: {  	[tilespmem:s0+$0x1BC86] =	vst v16  }
0x29: {  	[tilespmem:s0+$0x1BFC7] =	vst v16  }
0x2a: {  	[tilespmem:s0+$0x1C308] =	vst v16  }
0x2b: {  	s2 =	simm.s32 $0x80;
	s1 =	simm.s32 $0x10;
	[tilespmem:s0+$0x1C649] =	vst v16  }
.LBB2_2:
0x2c: {  	p0 =	sne.s32 s2, $0xCC0;
	v17 =	vld [tilespmem:s1+$0x1DD80];
	[tilespmem:s0+$0x1C98A] =	vst v16  }
0x2d: {  	[tilespmem:s0+$0x1CCCB] =	vst v16  }
0x2e: {  	[tilespmem:s0+$0x1D00C] =	vst v16  }
0x2f: {  	[tilespmem:s0+$0x1D34D] =	vst v16  }
0x30: {  	[tilespmem:s0+$0x1D68E] =	vst v16;
	s0 =	smov.u32 s1  }
0x31: {  	[tilespmem:s0+$0x1D9CF] =	vst v17;
	v16 =	vmov v17  }
0x32: {  	[tilespmem:s0+$0x1A900] =	vst v16  }
0x33: {  	[tilespmem:s0+$0x1AC41] =	vst v16  }
0x34: {  	[tilespmem:s0+$0x1AF82] =	vst v16  }
0x35: {  	[tilespmem:s0+$0x1B2C3] =	vst v16  }
0x36: {  	[tilespmem:s0+$0x1B604] =	vst v16  }
.Ltmp2:
0x37: {  	[tilespmem:s0+$0x1B945] =	vst v16;
	(pc) =	sbr.rel @p0 .LBB2_2-.Ltmp2, $4  }
0x38: {  	[tilespmem:s0+$0x1BC86] =	vst v16  }
0x39: {  	[tilespmem:s0+$0x1BFC7] =	vst v16  }
0x3a: {  	[tilespmem:s0+$0x1C308] =	vst v16  }
0x3b: {  	s1 =	sshra.s32 s2, $0x2;
	s2 =	sadd.s32 $0x40, s2;
	[tilespmem:s0+$0x1C649] =	vst v16  }
0x3c: {  	v17 =	vld [tilespmem:s1+$0x1DD80];
	[tilespmem:s0+$0x1C98A] =	vst v16  }
0x3d: {  	[tilespmem:s0+$0x1CCCB] =	vst v16  }
0x3e: {  	[tilespmem:s0+$0x1D00C] =	vst v16  }
0x3f: {  	[tilespmem:s0+$0x1D34D] =	vst v16  }
0x40: {  	[tilespmem:s0+$0x1D68E] =	vst v16  }
0x41: {  	[tilespmem:s1+$0x1D9CF] =	vst v17  }
0x42: {  	[tilespmem:s1+$0x1A900] =	vst v17  }
0x43: {  	[tilespmem:s1+$0x1AC41] =	vst v17  }
0x44: {  	[tilespmem:s1+$0x1AF82] =	vst v17  }
0x45: {  	[tilespmem:s1+$0x1B2C3] =	vst v17  }
0x46: {  	[tilespmem:s1+$0x1B604] =	vst v17  }
0x47: {  	[tilespmem:s1+$0x1B945] =	vst v17  }
0x48: {  	[tilespmem:s1+$0x1BC86] =	vst v17  }
0x49: {  	[tilespmem:s1+$0x1BFC7] =	vst v17  }
0x4a: {  	[tilespmem:s1+$0x1C308] =	vst v17  }
0x4b: {  	[tilespmem:s1+$0x1C649] =	vst v17  }
0x4c: {  	[tilespmem:s1+$0x1C98A] =	vst v17  }
.Ltmp3:
0x4d: {  	[tilespmem:s1+$0x1CCCB] =	vst v17;
	(pc) =	sbr.rel .LBB2_4-.Ltmp3, $4  }
0x4e: {  	s31 =	sld [smem:$0x7FA];
	[tilespmem:s1+$0x1D00C] =	vst v17  }
0x4f: {  	[tilespmem:s1+$0x1D34D] =	vst v17  }
0x50: {  	s30 =	simm.s32 $0x0;
	s3 =	simm.s32 $0x0;
	[tilespmem:s1+$0x1D68E] =	vst v17  }
0x51: {  	[tilespmem:s30], [sflag:$0x1] =	stream.linear.gather [hbm4b:s31+s30], $0xC80, $0x38;
	[tilespmem:$0x1E100] =	vst v63  }
.LBB2_10:
0x52: {  	s3 =	sld [smem:$0x7F7];
	_ =	sdelay $0x2  }
0x53: {  	s3 =	sadd.s32 $0x1, s3  }
0x54: {  	p0 =	sne.s32 s3, $0x14  }
.Ltmp4:
0x55: {  	_ = 	snop;
	(pc) =	sbr.rel @!p0 .LBB2_11-.Ltmp4, $2  }
0x56: {  	_ =	sdelay $0x2  }
0x57: {  	v0 =	vld [tilespmem:$0x1FFE0]  }
.LBB2_4:
0x58: {  	s0 =	sld [smem:$0x7FB];
	_ =	sdelay $0x1  }
0x59: {  	s1 =	sshll.u32 s3, $0x6  }
0x5a: {  	s0 =	sor.u32 s1, s0  }
0x5b: {  	[smem:$0x7F5] =	sst s0;
	s0 =	sor.u32 $0x20, s0  }
0x5c: {  	[smem:$0x7F4] =	sst s1;
	p1 =	sgt.u32 s0, $0x4E1  }
0x5d: {  	[smem:$0x7F6] =	sst s0;
	s0 =	smul.u32 @!p1 $0x190, s0  }
0x5e: {  	s25 =	simm.s32 $0x1;
	s1 =	rddreg [dreg:$0x0]  }
0x5f: {  	s2 =	simm.s32 @!p1 $0xC80;
	s0 =	sadd.s32 @!p1 s1, s0;
	s1 =	simm.s32 @!p1 $0x0  }
0x60: {  	[tilespmem:s2], [sflag:$0x2] =	stream.linear.gather @!p1 [hbm4b:s0+s1], $0xC80, $0x38;
	[tilespmem:$0x1E100] =	vst v63  }
0x61: {  	_ =	swait.ge [sflag:s25], $0xC80  }
0x62: {  	p0 =	seq.s32 s3, $0x0;
	[sflag:s25] =	ssyncset.done $0x0  }
0x63: {  	s0 =	simm.s32 @!p0 $0x3;
	[smem:$0x7F7] =	sst s3;
	[sflag:s25] =	ssyncadd.s32 $0xFFFFF380  }
0x64: {  	_ =	swait.ge @!p0 [sflag:s0], $0xC800  }
0x65: {  	s17 =	simm.s32 $0x0;
	[sflag:s0] =	ssyncset.done @!p0 $0x0  }
0x66: {  	s1 =	sand.u32 $0x60, s17;
	[sflag:s0] =	ssyncadd.s32 @!p0 $0xFFFF3800  }
0x67: {  	s26 =	sand.u32 $0xF80, s17;
	s0 =	sor.u32 $0x10, s1;
	v16 =	vld [tilespmem:s17+$0x0]  }
0x68: {  	s2 =	sor.u32 s0, s26  }
0x69: {  	v17 =	vld [tilespmem:s2+$0x0];
	_ =	sdelay $0x2  }
0x6a: {  	v23 =	vshll.u32 v16, $0x4  }
0x6b: {  	v16 =	vadd.s32 v0, v23  }
0x6c: {  	v26 =	vshll.u32 v17, $0x4;
	v17 =	vadd.s32 v6, v23  }
0x6d: {  	v20 =	vadd.s32 v2, v23  }
0x6e: {  	s3 =	simm.s32 $0x20;
	v24 =	vadd.s32 v14, v23  }
0x6f: {  	v45 =	vld [tilespmem:s3+$0x0];
	v28 =	vadd.s32 v4, v23  }
0x70: {  	v31 =	vadd.s32 v5, v23;
	v29 =	vld.idx.msk [tilespmem:v16+s13+$0x0], $0xffff  }
0x71: {  	v32 =	vadd.s32 v61, v23;
	v18 =	vld.idx.msk [tilespmem:v17+s13+$0x0], $0xffff  }
0x72: {  	v36 =	vadd.s32 v3, v23;
	v30 =	vld.idx.msk [tilespmem:v20+s13+$0x0], $0xffff  }
0x73: {  	v19 =	vadd.s32 v14, v26;
	v17 =	vld.idx.msk [tilespmem:v24+s13+$0x0], $0xffff  }
0x74: {  	v21 =	vadd.s32 v2, v26;
	v46 =	vld.idx.msk [tilespmem:v28+s13+$0x0], $0xffff  }
0x75: {  	v22 =	vadd.s32 v0, v26;
	v47 =	vld.idx.msk [tilespmem:v31+s13+$0x0], $0xffff  }
0x76: {  	v25 =	vadd.s32 v4, v26;
	v48 =	vld.idx.msk [tilespmem:v32+s13+$0x0], $0xffff  }
0x77: {  	v20 =	vadd.s32 v6, v26;
	v49 =	vld.idx.msk [tilespmem:v36+s13+$0x0], $0xffff  }
0x78: {  	v24 =	vadd.s32 v1, v26;
	v16 =	vld.idx.msk [tilespmem:v19+s13+$0x0], $0xffff  }
0x79: {  	v19 =	vadd.s32 v5, v26;
	v33 =	vld.idx.msk [tilespmem:v21+s13+$0x0], $0xffff  }
0x7a: {  	v21 =	vadd.s32 v3, v26;
	v34 =	vld.idx.msk [tilespmem:v22+s13+$0x0], $0xffff  }
0x7b: {  	v28 =	vadd.s32 v1, v23;
	v37 =	vld.idx.msk [tilespmem:v25+s13+$0x0], $0xffff  }
0x7c: {  	v22 =	vadd.s32 v8, v26;
	v39 =	vld.idx.msk [tilespmem:v20+s13+$0x0], $0xffff  }
0x7d: {  	v25 =	vadd.s32 v7, v26;
	v42 =	vld.idx.msk [tilespmem:v24+s13+$0x0], $0xffff  }
0x7e: {  	v38 =	vld.idx.msk [tilespmem:v19+s13+$0x0], $0xffff;
	v19 =	vadd.s32 v9, v26  }
0x7f: {  	v40 =	vld.idx.msk [tilespmem:v21+s13+$0x0], $0xffff;
	v21 =	vadd.s32 v12, v23  }
0x80: {  	v27 =	vadd.s32 v9, v23;
	v36 =	vld.idx.msk [tilespmem:v28+s13+$0x0], $0xffff  }
0x81: {  	v20 =	vadd.s32 v13, v26;
	v41 =	vld.idx.msk [tilespmem:v22+s13+$0x0], $0xffff  }
0x82: {  	v22 =	vadd.s32 v7, v23;
	v44 =	vld.idx.msk [tilespmem:v25+s13+$0x0], $0xffff  }
0x83: {  	v24 =	vadd.s32 v13, v23;
	v43 =	vld.idx.msk [tilespmem:v19+s13+$0x0], $0xffff  }
0x84: {  	v25 =	vadd.s32 v8, v23;
	v19 =	vld.idx.msk [tilespmem:v21+s13+$0x0], $0xffff  }
0x85: {  	v21 =	vld.idx.msk [tilespmem:v27+s13+$0x0], $0xffff;
	v27 =	vadd.s32 v15, v23  }
0x86: {  	v35 =	vld.idx.msk [tilespmem:v20+s13+$0x0], $0xffff;
	v23 =	vadd.s32 v10, v23  }
0x87: {  	v56 =	vadd.s32 v12, v26;
	v20 =	vld.idx.msk [tilespmem:v22+s13+$0x0], $0xffff  }
0x88: {  	s9 =	sand.u32 $0x7C00, s17;
	v22 =	vld.idx.msk [tilespmem:v24+s13+$0x0], $0xffff  }
0x89: {  	s8 =	sadd.s32 $0x1900, s9;
	v50 =	vadd.s32 v10, v26;
	v24 =	vld.idx.msk [tilespmem:v25+s13+$0x0], $0xffff  }
0x8a: {  	s10 =	sor.u32 s1, s8;
	s21 =	sand.u32 $0x60, s3;
	v25 =	vld.idx.msk [tilespmem:v27+s13+$0x0], $0xffff  }
0x8b: {  	s26 =	sor.u32 $0x10, s21;
	s2 =	sand.u32 $0xF80, s3;
	v51 =	vadd.s32 v15, v26;
	v31 =	vld.idx.msk [tilespmem:v23+s13+$0x0], $0xffff;
	[tilespmem:s10+$0x280] =	vst v47  }
0x8c: {  	s4 =	sadd.s32 $0x7D00, s9;
	s2 =	sor.u32 s26, s2;
	v52 =	vld.idx.msk [tilespmem:v56+s13+$0x0], $0xffff;
	v26 =	vadd.s32 v61, v26;
	[tilespmem:s10+$0x180] =	vst v49  }
0x8d: {  	v23 =	vld [tilespmem:s2+$0x0];
	[tilespmem:s10+$0x200] =	vst v46;
	s2 =	sor.u32 s1, s4  }
0x8e: {  	v28 =	vld.idx.msk [tilespmem:v50+s13+$0x0], $0xffff;
	[dreg:$0x5] =	wrdreg s2  }
0x8f: {  	s12 =	sadd.s32 $0x7E00, s9;
	[tilespmem:s10+$0x80] =	vst v48  }
0x90: {  	s14 =	sadd.s32 $0x7E80, s9;
	s15 =	sadd.s32 $0x7F00, s9;
	s16 =	sor.u32 s0, s8;
	v32 =	vld.idx.msk [tilespmem:v51+s13+$0x0], $0xffff;
	[tilespmem:s10+$0x100] =	vst v30  }
0x91: {  	s24 =	sor.u32 s1, s12;
	s7 =	sor.u32 s0, s4;
	s5 =	sor.u32 s0, s12;
	v30 =	vld.idx.msk [tilespmem:v26+s13+$0x0], $0xffff;
	[tilespmem:s16+$0x200] =	vst v37  }
0x92: {  	s12 =	sor.u32 s1, s14;
	v27 =	vshll.u32 v45, $0x4;
	s4 =	sor.u32 s0, s14;
	s14 =	sadd.s32 $0x7F80, s9;
	[tilespmem:s16+$0x280] =	vst v38  }
0x93: {  	s11 =	sadd.s32 $0x7D80, s9;
	s25 =	sor.u32 s1, s15;
	v45 =	vadd.s32 v0, v27;
	s2 =	sor.u32 s0, s14;
	[tilespmem:s16+$0x100] =	vst v33  }
0x94: {  	s3 =	sor.u32 s0, s15;
	s15 =	sor.u32 $0x8000, s9;
	v57 =	vadd.s32 v6, v27;
	[dreg:$0x19] =	wrdreg s2  }
0x95: {  	s23 =	sor.u32 s1, s11;
	s6 =	sor.u32 s0, s11;
	s11 =	sor.u32 s0, s15;
	[tilespmem:s16+$0x180] =	vst v40  }
0x96: {  	s19 =	sand.u32 $0x3, s17;
	[dreg:$0x1b] =	wrdreg s11  }
0x97: {  	s18 =	sor.u32 $0x8080, s9;
	s20 =	sshll.u32 s19, $0x5;
	v59 =	vadd.s32 v2, v27;
	v26 =	vshll.u32 v23, $0x4;
	[tilespmem:s10+$0x0] =	vst v29  }
0x98: {  	s9 =	sadd.s32 $0x0, s20;
	s0 =	sor.u32 s0, s18;
	v58 =	vadd.s32 v14, v26;
	v23 =	vld.idx.msk [tilespmem:v45+s13+$0x0], $0xffff;
	[tilespmem:s16+$0x0] =	vst v34  }
0x99: {  	s22 =	sor.u32 s1, s14;
	s14 =	sadd.s32 $0x10, s9;
	v60 =	vadd.s32 v2, v26;
	v47 =	vld.idx.msk [tilespmem:v57+s13+$0x0], $0xffff;
	[dreg:$0x1e] =	wrdreg s0  }
0x9a: {  	s8 =	sor.u32 s1, s15;
	s15 =	simm.s32 $0x100;
	s17 =	sor.u32 $0x300, s14;
	[tilespmem:s16+$0x80] =	vst v30  }
0x9b: {  	s30 =	sor.u32 s1, s18;
	s1 =	sand.u32 $0x7C00, s15;
	v62 =	vadd.s32 v0, v26;
	s10 =	sor.u32 $0x380, s14;
	[tilespmem:s17+$0x1900] =	vst v39  }
0x9c: {  	s18 =	sadd.s32 $0x7D80, s1;
	v33 =	vld.idx.msk [tilespmem:v59+s13+$0x0], $0xffff;
	[tilespmem:s10+$0x1900] =	vst v44  }
0x9d: {  	v63 =	vadd.s32 v14, v27;
	s20 =	sor.u32 s21, s18;
	v34 =	vld.idx.msk [tilespmem:v58+s13+$0x0], $0xffff;
	[tilespmem:s7+$0x0] =	vst v41  }
0x9e: {  	s19 =	sadd.s32 $0x7E00, s1;
	v53 =	vadd.s32 v4, v26;
	v30 =	vld.idx.msk [tilespmem:v60+s13+$0x0], $0xffff;
	[dreg:$0x4] =	wrdreg s20  }
0x9f: {  	s0 =	sor.u32 s21, s19;
	[tilespmem:s6+$0x0] =	vst v42  }
0xa0: {  	s2 =	sadd.s32 $0x7E80, s1;
	s11 =	sor.u32 s26, s19;
	v29 =	vld.idx.msk [tilespmem:v62+s13+$0x0], $0xffff;
	[dreg:$0x7] =	wrdreg s0  }
0xa1: {  	s19 =	sor.u32 s21, s2;
	s16 =	sadd.s32 $0x7D00, s1;
	s10 =	sadd.s32 $0x7F00, s1;
	[tilespmem:s5+$0x0] =	vst v43  }
0xa2: {  	s14 =	sor.u32 s26, s16;
	s20 =	sor.u32 s26, s10;
	v46 =	vld.idx.msk [tilespmem:v63+s13+$0x0], $0xffff;
	[dreg:$0x9] =	wrdreg s19  }
0xa3: {  	v54 =	vadd.s32 v5, v26;
	s17 =	sor.u32 s21, s16;
	s16 =	sor.u32 s26, s18;
	v41 =	vld.idx.msk [tilespmem:v53+s13+$0x0], $0xffff;
	[dreg:$0x15] =	wrdreg s20  }
0xa4: {  	v55 =	vadd.s32 v6, v26;
	s18 =	sor.u32 s26, s2;
	s2 =	sadd.s32 $0x7F80, s1;
	s0 =	sor.u32 s21, s10;
	[tilespmem:s4+$0x0] =	vst v35  }
0xa5: {  	s4 =	sor.u32 s21, s2;
	[dreg:$0xb] =	wrdreg s0  }
0xa6: {  	v60 =	vadd.s32 v3, v26;
	s6 =	sor.u32 s26, s2;
	[dreg:$0xd] =	wrdreg s4  }
0xa7: {  	s7 =	sor.u32 $0x8000, s1;
	[dreg:$0xe] =	wrdreg s6  }
0xa8: {  	v56 =	vadd.s32 v13, v27;
	v62 =	vadd.s32 v8, v26;
	s10 =	sor.u32 s21, s7;
	s5 =	sadd.s32 $0x1900, s1;
	v42 =	vld.idx.msk [tilespmem:v54+s13+$0x0], $0xffff;
	[tilespmem:s3+$0x0] =	vst v52  }
0xa9: {  	v50 =	vadd.s32 v10, v27;
	v51 =	vadd.s32 v4, v27;
	v63 =	vadd.s32 v1, v26;
	s1 =	sor.u32 $0x8080, s1;
	s0 =	sor.u32 s26, s7;
	v35 =	vld.idx.msk [tilespmem:v55+s13+$0x0], $0xffff;
	[dreg:$0x13] =	wrdreg s10  }
0xaa: {  	v48 =	vadd.s32 v5, v27;
	v57 =	vadd.s32 v9, v26;
	v45 =	vadd.s32 v61, v27;
	s19 =	sor.u32 s21, s1;
	[dreg:$0x12] =	wrdreg s0  }
0xab: {  	v11 =	vmovc v9;
	v40 =	vadd.s32 v61, v26;
	v14 =	vmov v10;
	v59 =	vadd.s32 v12, v27;
	s20 =	sor.u32 s26, s1;
	v43 =	vld.idx.msk [tilespmem:v60+s13+$0x0], $0xffff;
	[dreg:$0x17] =	wrdreg s19  }
0xac: {  	v10 =	vmovc v1;
	v44 =	vadd.s32 v3, v27;
	v58 =	vadd.s32 v7, v27;
	v53 =	vadd.s32 v8, v27;
	[dreg:$0x18] =	wrdreg s20  }
0xad: {  	s28 =	simm.s32 $0x1;
	s31 =	simm.s32 $0x2;
	v55 =	vadd.s32 v9, v27;
	v54 =	vadd.s32 v15, v27;
	v52 =	vadd.s32 v13, v26;
	v37 =	vld.idx.msk [tilespmem:v62+s13+$0x0], $0xffff  }
0xae: {  	s29 =	simm.s32 $0x100;
	v1 =	vmovc v0;
	s1 =	simm.s32 $0x40;
	s7 =	sor.u32 $0x380, s9;
	v9 =	vmovc v8;
	v8 =	vmov v7;
	v60 =	vadd.s32 v7, v26;
	v7 =	vmov v6;
	v38 =	vld.idx.msk [tilespmem:v63+s13+$0x0], $0xffff  }
0xaf: {  	s6 =	sor.u32 $0x300, s9;
	s0 =	simm.s32 $0x2;
	s10 =	simm.s32 $0x40;
	v6 =	vmovc v5;
	v5 =	vmovc v4;
	v4 =	vmov v3;
	v3 =	vmov v2;
	v2 =	vmov v61;
	v39 =	vld.idx.msk [tilespmem:v57+s13+$0x0], $0xffff  }
.LBB2_5:
0xb0: {  	[smem:$0x7ED] =	sst s16  }
0xb1: {  	[smem:$0x7F1] =	sst s18  }
0xb2: {  	[smem:$0x7EF] =	sst s11;
	s9 =	sand.u32 $0x60, s1;
	s15 =	sadd.s32 $0x100, s15  }
0xb3: {  	s4 =	sand.u32 $0xF80, s1;
	s2 =	rddreg [dreg:$0x5];
	s16 =	smov.u32 s17  }
0xb4: {  	[tilespmem:s6+$0x1900] =	vst v18;
	s6 =	sor.u32 $0x10, s9;
	s19 =	sand.u32 $0x7C00, s15;
	[dreg:$0x5] =	wrdreg s16  }
0xb5: {  	[tilespmem:s7+$0x1900] =	vst v20;
	s11 =	sor.u32 s6, s4;
	s7 =	sadd.s32 $0x1900, s19;
	s17 =	sadd.s32 $0x7D00, s19  }
0xb6: {  	v62 =	vld.idx.msk [tilespmem:v59+s13+$0x0], $0xffff;
	[tilespmem:s2+$0x0] =	vst v24;
	s20 =	sadd.s32 $0x7D80, s19;
	s2 =	smov.u32 s21;
	s16 =	sadd.s32 $0x7F00, s19  }
0xb7: {  	v20 =	vld.idx.msk [tilespmem:v58+s13+$0x0], $0xffff;
	[tilespmem:s23+$0x0] =	vst v36;
	s23 =	sadd.s32 $0x7E00, s19;
	s18 =	sor.u32 s6, s17;
	s3 =	sor.u32 s6, s20  }
0xb8: {  	s20 =	sor.u32 s9, s20;
	s21 =	sor.u32 s9, s16;
	[smem:$0x7EC] =	sst s18  }
0xb9: {  	[smem:$0x7EE] =	sst s3;
	v36 =	vld.idx.msk [tilespmem:v56+s13+$0x0], $0xffff;
	[tilespmem:s24+$0x0] =	vst v21;
	s24 =	sadd.s32 $0x7E80, s19;
	s3 =	sor.u32 s6, s23  }
0xba: {  	v63 =	vld [tilespmem:s10+$0x0];
	[smem:$0x7F0] =	sst s3;
	[tilespmem:s12+$0x0] =	vst v22;
	s18 =	sor.u32 s6, s24;
	s12 =	sor.u32 s6, s16  }
0xbb: {  	v49 =	vld.idx.msk [tilespmem:v52+s13+$0x0], $0xffff;
	s4 =	sor.u32 s9, s24;
	s24 =	sadd.s32 $0x7F80, s19;
	s3 =	sor.u32 $0x8000, s19  }
0xbc: {  	[smem:$0x7F2] =	sst s18;
	v21 =	vld.idx.msk [tilespmem:v55+s13+$0x0], $0xffff;
	[tilespmem:s25+$0x0] =	vst v19;
	s25 =	sor.u32 s9, s23;
	s18 =	sor.u32 s9, s3  }
0xbd: {  	s16 =	sor.u32 s6, s24;
	s23 =	rddreg [dreg:$0x15];
	v24 =	vld.idx.msk [tilespmem:v53+s13+$0x0], $0xffff;
	[tilespmem:s22+$0x0] =	vst v31;
	s22 =	sor.u32 $0x8080, s19  }
0xbe: {  	v58 =	vld.idx.msk [tilespmem:v51+s13+$0x0], $0xffff;
	[tilespmem:s8+$0x0] =	vst v25;
	s8 =	sor.u32 s9, s24;
	s24 =	smov.u32 s23;
	s23 =	rddreg [dreg:$0x19]  }
0xbf: {  	v18 =	vmov v47;
	s19 =	smov.u32 s14;
	s14 =	sor.u32 s6, s22;
	v47 =	vld.idx.msk [tilespmem:v48+s13+$0x0], $0xffff;
	[tilespmem:s30+$0x0] =	vst v17;
	[smem:$0x7F3] =	sst s24  }
0xc0: {  	v52 =	vld.idx.msk [tilespmem:v60+s13+$0x0], $0xffff;
	s30 =	sor.u32 s6, s3;
	s3 =	sor.u32 s9, s22;
	[tilespmem:s23+$0x0] =	vst v28;
	s23 =	rddreg [dreg:$0x1b]  }
0xc1: {  	s24 =	smov.u32 s12;
	s12 =	smov.u32 s20;
	s22 =	rddreg [dreg:$0x7]  }
0xc2: {  	s20 =	smov.u32 s25;
	s25 =	smov.u32 s4;
	s4 =	rddreg [dreg:$0x17]  }
0xc3: {  	[dreg:$0x15] =	wrdreg s24  }
0xc4: {  	s24 =	rddreg [dreg:$0x4]  }
0xc5: {  	[dreg:$0x4] =	wrdreg s12  }
0xc6: {  	s12 =	rddreg [dreg:$0x1e]  }
0xc7: {  	[dreg:$0x7] =	wrdreg s20  }
0xc8: {  	v31 =	vadd.s32 v12, v26;
	s20 =	rddreg [dreg:$0xb]  }
0xc9: {  	v28 =	vld [tilespmem:s11+$0x0];
	s11 =	rddreg [dreg:$0xd]  }
0xca: {  	[tilespmem:s23+$0x0] =	vst v32;
	s23 =	smov.u32 s24;
	s24 =	smov.u32 s22;
	s22 =	rddreg [dreg:$0x9]  }
0xcb: {  	[dreg:$0x9] =	wrdreg s25;
	s25 =	smov.u32 s20;
	s20 =	smov.u32 s8  }
0xcc: {  	v60 =	vadd.s32 v10, v27;
	v0 =	vld [tilespmem:$0x1FFF0];
	[dreg:$0xd] =	wrdreg s20  }
0xcd: {  	v57 =	vld.idx.msk [tilespmem:v31+s13+$0x0], $0xffff;
	[tilespmem:s12+$0x0] =	vst v16;
	s12 =	smov.u32 s22;
	s22 =	smov.u32 s21;
	s21 =	rddreg [dreg:$0x13]  }
0xce: {  	s17 =	sor.u32 s9, s17;
	v61 =	vld.idx.msk [tilespmem:v44+s13+$0x0], $0xffff;
	[dreg:$0xb] =	wrdreg s22;
	s22 =	smov.u32 s11  }
0xcf: {  	v17 =	vmov v46;
	v46 =	vld.idx.msk [tilespmem:v45+s13+$0x0], $0xffff;
	s8 =	smov.u32 s21;
	s11 =	smov.u32 s18;
	s18 =	rddreg [dreg:$0xe]  }
0xd0: {  	v19 =	vmov v62;
	v62 =	vadd.s32 v14, v26;
	v25 =	vld.idx.msk [tilespmem:v54+s13+$0x0], $0xffff;
	s21 =	smov.u32 s9;
	s9 =	smov.u32 s16;
	s16 =	rddreg [dreg:$0x12]  }
0xd1: {  	v22 =	vmov v36;
	v27 =	vshll.u32 v63, $0x4;
	v63 =	vadd.s32 v15, v26;
	v36 =	vld.idx.msk [tilespmem:v60+s13+$0x0], $0xffff;
	[dreg:$0x13] =	wrdreg s11;
	s11 =	sor.u32 s2, s5  }
0xd2: {  	v31 =	vld.idx.msk [tilespmem:v50+s13+$0x0], $0xffff;
	[dreg:$0xe] =	wrdreg s9;
	[tilespmem:s11+$0x280] =	vst v47  }
0xd3: {  	v16 =	vmov v34;
	v34 =	vadd.s32 v1, v27;
	s20 =	smov.u32 s18;
	s18 =	smov.u32 s16;
	s16 =	rddreg [dreg:$0x18];
	v26 =	vshll.u32 v28, $0x4;
	[tilespmem:s11+$0x180] =	vst v61  }
0xd4: {  	s9 =	smov.u32 s3;
	s3 =	sld [smem:$0x7EE];
	[tilespmem:s11+$0x200] =	vst v58;
	v50 =	vadd.s32 v0, v26  }
0xd5: {  	v54 =	vadd.s32 v3, v27;
	s2 =	sor.u32 s26, s5;
	s26 =	smov.u32 s6;
	s6 =	sld [smem:$0x7EF];
	v28 =	vld.idx.msk [tilespmem:v62+s13+$0x0], $0xffff;
	[tilespmem:s11+$0x80] =	vst v46  }
0xd6: {  	[dreg:$0x19] =	wrdreg s20;
	v32 =	vld.idx.msk [tilespmem:v63+s13+$0x0], $0xffff;
	[tilespmem:s11+$0x100] =	vst v33;
	v60 =	vadd.s32 v2, v26;
	v61 =	vadd.s32 v3, v26  }
0xd7: {  	[dreg:$0x1b] =	wrdreg s18;
	v62 =	vld.idx.msk [tilespmem:v40+s13+$0x0], $0xffff;
	[tilespmem:s2+$0x200] =	vst v41;
	v40 =	vmov v60;
	v60 =	vadd.s32 v1, v26  }
0xd8: {  	[dreg:$0x17] =	wrdreg s9;
	[tilespmem:s2+$0x280] =	vst v42;
	s9 =	sand.u32 $0x3, s28;
	v41 =	vadd.s32 v5, v26;
	v63 =	vld.idx.msk [tilespmem:v34+s13+$0x0], $0xffff  }
0xd9: {  	s20 =	smov.u32 s30;
	s30 =	smov.u32 s4;
	v42 =	vadd.s32 v6, v26;
	s4 =	sshll.u32 s9, $0x5;
	v34 =	vld.idx.msk [tilespmem:v50+s13+$0x0], $0xffff;
	[tilespmem:s2+$0x100] =	vst v30  }
0xda: {  	s18 =	smov.u32 s16;
	[dreg:$0x12] =	wrdreg s20;
	v33 =	vld.idx.msk [tilespmem:v54+s13+$0x0], $0xffff;
	s4 =	sadd.s32 s4, s29;
	[tilespmem:s2+$0x180] =	vst v43;
	v43 =	vadd.s32 v7, v26  }
0xdb: {  	v47 =	vadd.s32 v7, v27;
	[dreg:$0x1e] =	wrdreg s18;
	s20 =	smov.u32 s14;
	s14 =	sadd.s32 $0x10, s4;
	v30 =	vld.idx.msk [tilespmem:v61+s13+$0x0], $0xffff;
	[tilespmem:s2+$0x0] =	vst v29  }
0xdc: {  	v46 =	vadd.s32 v0, v27;
	v0 =	vadd.s32 v4, v26;
	s9 =	sld [smem:$0x7F0];
	s16 =	sor.u32 $0x300, s14;
	v29 =	vld.idx.msk [tilespmem:v60+s13+$0x0], $0xffff;
	[tilespmem:s2+$0x80] =	vst v62  }
0xdd: {  	[dreg:$0x18] =	wrdreg s20;
	s18 =	sor.u32 $0x380, s14;
	v41 =	vld.idx.msk [tilespmem:v41+s13+$0x0], $0xffff;
	[tilespmem:s16+$0x1900] =	vst v35  }
0xde: {  	s20 =	sld [smem:$0x7ED];
	v61 =	vadd.s32 v9, v26;
	v42 =	vld.idx.msk [tilespmem:v42+s13+$0x0], $0xffff;
	[tilespmem:s18+$0x1900] =	vst v52  }
0xdf: {  	s31 =	sadd.s32 $0x2, s31;
	v45 =	vadd.s32 v2, v27;
	v62 =	vadd.s32 v10, v26;
	v35 =	vld.idx.msk [tilespmem:v43+s13+$0x0], $0xffff;
	[tilespmem:s19+$0x0] =	vst v37;
	s19 =	sld [smem:$0x7EC]  }
0xe0: {  	p2 =	slt.u32 s31, $0xC6;
	v44 =	vadd.s32 v4, v27;
	v47 =	vld.idx.msk [tilespmem:v47+s13+$0x0], $0xffff;
	[tilespmem:s11+$0x0] =	vst v23;
	v23 =	vmov v63;
	v63 =	vadd.s32 v11, v26;
	s18 =	sld [smem:$0x7F1]  }
.Ltmp5:
0xe1: {  	s1 =	sadd.s32 $0x20, s1;
	v51 =	vadd.s32 v5, v27;
	v48 =	vadd.s32 v6, v27;
	v43 =	vld.idx.msk [tilespmem:v0+s13+$0x0], $0xffff;
	[tilespmem:s20+$0x0] =	vst v38;
	s20 =	sld [smem:$0x7F3];
	(pc) =	sbr.rel @p2 .LBB2_5-.Ltmp5, $4  }
0xe2: {  	s10 =	sadd.s32 $0x20, s10;
	v53 =	vadd.s32 v9, v27;
	v55 =	vadd.s32 v11, v27;
	v56 =	vadd.s32 v13, v27;
	v46 =	vld.idx.msk [tilespmem:v46+s13+$0x0], $0xffff;
	s14 =	smov.u32 s19;
	s19 =	sld [smem:$0x7F2]  }
0xe3: {  	v59 =	vadd.s32 v12, v27;
	s5 =	smov.u32 s7;
	v58 =	vadd.s32 v8, v27;
	s28 =	smov.u32 s0;
	s0 =	sadd.s32 $0x1, s0;
	v37 =	vld.idx.msk [tilespmem:v61+s13+$0x0], $0xffff;
	[tilespmem:s6+$0x0] =	vst v39  }
0xe4: {  	v54 =	vadd.s32 v15, v27;
	s29 =	smov.u32 s15;
	s7 =	sor.u32 $0x380, s4;
	s11 =	smov.u32 s9;
	v50 =	vadd.s32 v14, v27;
	v38 =	vld.idx.msk [tilespmem:v62+s13+$0x0], $0xffff;
	[tilespmem:s18+$0x0] =	vst v49  }
0xe5: {  	v60 =	vadd.s32 v8, v26;
	s16 =	smov.u32 s3;
	v52 =	vadd.s32 v13, v26;
	s6 =	sor.u32 $0x300, s4;
	v39 =	vld.idx.msk [tilespmem:v63+s13+$0x0], $0xffff;
	[tilespmem:s20+$0x0] =	vst v57;
	s18 =	smov.u32 s19  }
0xe6: {  	[tilespmem:s6+$0x1900] =	vst v18  }
0xe7: {  	[tilespmem:s7+$0x1900] =	vst v20  }
0xe8: {  	s0 =	rddreg [dreg:$0x5]  }
0xe9: {  	[tilespmem:s0+$0x0] =	vst v24  }
0xea: {  	[tilespmem:s23+$0x0] =	vst v36  }
0xeb: {  	v0 =	vld.idx.msk [tilespmem:v52+s13+$0x0], $0xffff;
	[tilespmem:s24+$0x0] =	vst v21  }
0xec: {  	v18 =	vld.idx.msk [tilespmem:v59+s13+$0x0], $0xffff;
	[tilespmem:s12+$0x0] =	vst v22  }
0xed: {  	v49 =	vld.idx.msk [tilespmem:v53+s13+$0x0], $0xffff;
	[tilespmem:s25+$0x0] =	vst v19  }
0xee: {  	v52 =	vld.idx.msk [tilespmem:v51+s13+$0x0], $0xffff;
	v59 =	vadd.s32 v15, v26;
	[tilespmem:s22+$0x0] =	vst v31  }
0xef: {  	v53 =	vld.idx.msk [tilespmem:v48+s13+$0x0], $0xffff;
	v57 =	vadd.s32 v14, v26;
	[tilespmem:s8+$0x0] =	vst v25  }
0xf0: {  	v61 =	vld.idx.msk [tilespmem:v60+s13+$0x0], $0xffff;
	[tilespmem:s30+$0x0] =	vst v17;
	v17 =	vadd.s32 v12, v26  }
0xf1: {  	v63 =	vld.idx.msk [tilespmem:v40+s13+$0x0], $0xffff;
	s0 =	rddreg [dreg:$0x19]  }
0xf2: {  	v20 =	vld.idx.msk [tilespmem:v58+s13+$0x0], $0xffff;
	[tilespmem:s0+$0x0] =	vst v28  }
0xf3: {  	v62 =	vld.idx.msk [tilespmem:v59+s13+$0x0], $0xffff;
	s0 =	rddreg [dreg:$0x1b]  }
0xf4: {  	s1 =	sor.u32 s26, s5;
	v28 =	vld.idx.msk [tilespmem:v57+s13+$0x0], $0xffff;
	[tilespmem:s0+$0x0] =	vst v32  }
0xf5: {  	s0 =	rddreg [dreg:$0x1e];
	v17 =	vld.idx.msk [tilespmem:v17+s13+$0x0], $0xffff;
	[tilespmem:s1+$0x200] =	vst v41  }
0xf6: {  	v27 =	vadd.s32 v10, v27;
	v58 =	vld.idx.msk [tilespmem:v54+s13+$0x0], $0xffff;
	[tilespmem:s1+$0x280] =	vst v42  }
0xf7: {  	v24 =	vld.idx.msk [tilespmem:v56+s13+$0x0], $0xffff;
	[tilespmem:s1+$0x100] =	vst v30  }
0xf8: {  	v56 =	vld.idx.msk [tilespmem:v44+s13+$0x0], $0xffff;
	[tilespmem:s1+$0x180] =	vst v43  }
0xf9: {  	v21 =	vld.idx.msk [tilespmem:v55+s13+$0x0], $0xffff;
	[tilespmem:s1+$0x0] =	vst v29  }
0xfa: {  	v55 =	vld.idx.msk [tilespmem:v45+s13+$0x0], $0xffff;
	[tilespmem:s1+$0x80] =	vst v63  }
0xfb: {  	v27 =	vld.idx.msk [tilespmem:v27+s13+$0x0], $0xffff;
	s22 =	sor.u32 s21, s5;
	[tilespmem:s0+$0x0] =	vst v16  }
0xfc: {  	v16 =	vld.idx.msk [tilespmem:v50+s13+$0x0], $0xffff;
	[tilespmem:s22+$0x280] =	vst v53  }
0xfd: {  	s2 =	sand.u32 $0x3, s28;
	[tilespmem:s22+$0x180] =	vst v56  }
0xfe: {  	s2 =	sshll.u32 s2, $0x5;
	[tilespmem:s22+$0x200] =	vst v52  }
0xff: {  	s2 =	sadd.s32 s2, s29;
	[tilespmem:s22+$0x80] =	vst v55  }
0x100: {  	s23 =	sadd.s32 $0x10, s2;
	[tilespmem:s22+$0x100] =	vst v33  }
0x101: {  	s24 =	sor.u32 $0x300, s23;
	[tilespmem:s22+$0x0] =	vst v23  }
0x102: {  	[tilespmem:s24+$0x1900] =	vst v35;
	s0 =	sor.u32 $0x380, s23  }
0x103: {  	[tilespmem:s0+$0x1900] =	vst v61  }
0x104: {  	[tilespmem:s14+$0x0] =	vst v37  }
0x105: {  	[tilespmem:s16+$0x0] =	vst v38  }
0x106: {  	[tilespmem:s11+$0x0] =	vst v39  }
0x107: {  	s25 =	sor.u32 $0x300, s2;
	[tilespmem:s18+$0x0] =	vst v0  }
0x108: {  	s0 =	rddreg [dreg:$0x15];
	[tilespmem:s25+$0x1900] =	vst v47  }
0x109: {  	s26 =	sor.u32 $0x380, s2;
	[tilespmem:s0+$0x0] =	vst v17  }
0x10a: {  	[tilespmem:s26+$0x1900] =	vst v20  }
0x10b: {  	[tilespmem:s17+$0x0] =	vst v49  }
0x10c: {  	s0 =	rddreg [dreg:$0x4]  }
0x10d: {  	[tilespmem:s0+$0x0] =	vst v27  }
0x10e: {  	s0 =	rddreg [dreg:$0x7]  }
0x10f: {  	[tilespmem:s0+$0x0] =	vst v21  }
0x110: {  	s0 =	rddreg [dreg:$0x9]  }
0x111: {  	[tilespmem:s0+$0x0] =	vst v24  }
0x112: {  	s0 =	rddreg [dreg:$0xb]  }
0x113: {  	[tilespmem:s0+$0x0] =	vst v18  }
0x114: {  	s0 =	rddreg [dreg:$0xd]  }
0x115: {  	[tilespmem:s0+$0x0] =	vst v16  }
0x116: {  	s0 =	rddreg [dreg:$0x13]  }
0x117: {  	[tilespmem:s0+$0x0] =	vst v58  }
0x118: {  	s0 =	rddreg [dreg:$0x17]  }
0x119: {  	[tilespmem:s0+$0x0] =	vst v46  }
0x11a: {  	s0 =	rddreg [dreg:$0xe]  }
0x11b: {  	[tilespmem:s0+$0x0] =	vst v28  }
0x11c: {  	s1 =	sld [smem:$0x7FC]  }
0x11d: {  	s28 =	sld [smem:$0x7F4]  }
0x11e: {  	s0 =	sld [smem:$0x7F5];
	_ =	sdelay $0x1  }
0x11f: {  	s31 =	simm.s32 $0x6400;
	s29 =	rddreg [dreg:$0x12];
	s1 =	sadd.s32 s1, s28  }
0x120: {  	s30 =	rddreg [dreg:$0x2];
	[tilespmem:s29+$0x0] =	vst v62;
	s0 =	smul.u32 $0xC80, s0;
	p2 =	sgt.u32 s1, $0x4E1  }
0x121: {  	s3 =	simm.s32 $0x1E84800;
	s2 =	rddreg [dreg:$0x18];
	s1 =	smul.u32 @!p2 $0x190, s1  }
.Ltmp6:
0x122: {  	s4 =	simm.s32 $0x1900;
	[tilespmem:s2+$0x0] =	vst v34;
	s0 =	sadd.s32 s30, s0;
	(pc) =	sbr.rel @p1 .LBB2_10-.Ltmp6, $4  }
0x123: {  	[hbm4b:s0+s31] =	stream.strided.scatter [tilespmem:s4], [sflag:$0x3], $0xC800, s3, s31, $0x38;
	[tilespmem:$0x1E100] =	vst v63  }
0x124: {  	v1 =	vmov v10;
	s0 =	rddreg [dreg:$0x0]  }
0x125: {  	v10 =	vmovc v14;
	v61 =	vmovc v2;
	v2 =	vmov v3;
	v3 =	vmov v4;
	v4 =	vmov v5;
	s0 =	sadd.s32 @!p2 s0, s1;
	s1 =	simm.s32 @!p2 $0x0  }
0x126: {  	v5 =	vmovc v6;
	v6 =	vmovc v7;
	v7 =	vmov v8;
	v8 =	vmov v9;
	v9 =	vmov v11;
	v14 =	vld [tilespmem:$0x1FFF0];
	[tilespmem:s1], [sflag:$0x1] =	stream.linear.gather @!p2 [hbm4b:s0+s1], $0xC80, $0x38  }
0x127: {  	s0 =	simm.s32 $0x2  }
0x128: {  	_ =	swait.ge [sflag:s0], $0xC80  }
0x129: {  	[sflag:s0] =	ssyncset.done $0x0  }
0x12a: {  	[sflag:s0] =	ssyncadd.s32 $0xFFFFF380;
	s0 =	simm.s32 @!p0 $0x4  }
0x12b: {  	_ =	swait.ge @!p0 [sflag:s0], $0xC800  }
0x12c: {  	s2 =	simm.s32 $0x0;
	[sflag:s0] =	ssyncset.done @!p0 $0x0  }
0x12d: {  	s3 =	simm.s32 $0xC80;
	s1 =	sand.u32 $0x60, s2;
	[sflag:s0] =	ssyncadd.s32 @!p0 $0xFFFF3800  }
0x12e: {  	s4 =	sand.u32 $0xF80, s2;
	s0 =	sor.u32 $0x10, s1;
	v0 =	vld [tilespmem:s3+$0x0]  }
0x12f: {  	v52 =	vld [tilespmem:$0x1FFE0];
	s9 =	sor.u32 s0, s4  }
0x130: {  	v16 =	vld [tilespmem:s9+$0xC80];
	_ =	sdelay $0x2  }
0x131: {  	v0 =	vshll.u32 v0, $0x4  }
0x132: {  	v17 =	vadd.s32 v52, v0  }
0x133: {  	v24 =	vshll.u32 v16, $0x4;
	v16 =	vadd.s32 v6, v0  }
0x134: {  	v20 =	vadd.s32 v2, v0  }
0x135: {  	s10 =	simm.s32 $0xCA0;
	v28 =	vadd.s32 v4, v0  }
0x136: {  	v44 =	vld [tilespmem:s10+$0x0];
	v31 =	vadd.s32 v5, v0  }
0x137: {  	v32 =	vadd.s32 v61, v0;
	v29 =	vld.idx.msk [tilespmem:v17+s13+$0x0], $0xffff  }
0x138: {  	v36 =	vadd.s32 v3, v0;
	v18 =	vld.idx.msk [tilespmem:v16+s13+$0x0], $0xffff  }
0x139: {  	v19 =	vadd.s32 v14, v24;
	v26 =	vld.idx.msk [tilespmem:v20+s13+$0x0], $0xffff  }
0x13a: {  	v21 =	vadd.s32 v2, v24;
	v45 =	vld.idx.msk [tilespmem:v28+s13+$0x0], $0xffff  }
0x13b: {  	v23 =	vadd.s32 v4, v24;
	v46 =	vld.idx.msk [tilespmem:v31+s13+$0x0], $0xffff  }
0x13c: {  	v25 =	vadd.s32 v7, v24;
	v47 =	vld.idx.msk [tilespmem:v32+s13+$0x0], $0xffff  }
0x13d: {  	v17 =	vadd.s32 v52, v24;
	v48 =	vld.idx.msk [tilespmem:v36+s13+$0x0], $0xffff  }
0x13e: {  	v22 =	vadd.s32 v14, v0;
	v16 =	vld.idx.msk [tilespmem:v19+s13+$0x0], $0xffff  }
0x13f: {  	v20 =	vadd.s32 v6, v24;
	v30 =	vld.idx.msk [tilespmem:v21+s13+$0x0], $0xffff  }
0x140: {  	v19 =	vadd.s32 v5, v24;
	v34 =	vld.idx.msk [tilespmem:v23+s13+$0x0], $0xffff  }
0x141: {  	v21 =	vadd.s32 v3, v24;
	v43 =	vld.idx.msk [tilespmem:v25+s13+$0x0], $0xffff  }
0x142: {  	v28 =	vadd.s32 v1, v0;
	v33 =	vld.idx.msk [tilespmem:v17+s13+$0x0], $0xffff  }
0x143: {  	v23 =	vadd.s32 v1, v24;
	v17 =	vld.idx.msk [tilespmem:v22+s13+$0x0], $0xffff  }
0x144: {  	v22 =	vadd.s32 v8, v24;
	v38 =	vld.idx.msk [tilespmem:v20+s13+$0x0], $0xffff  }
0x145: {  	v37 =	vld.idx.msk [tilespmem:v19+s13+$0x0], $0xffff;
	v19 =	vadd.s32 v9, v24  }
0x146: {  	v39 =	vld.idx.msk [tilespmem:v21+s13+$0x0], $0xffff;
	v21 =	vadd.s32 v12, v0  }
0x147: {  	v27 =	vadd.s32 v9, v0;
	v36 =	vld.idx.msk [tilespmem:v28+s13+$0x0], $0xffff  }
0x148: {  	v20 =	vadd.s32 v13, v24;
	v41 =	vld.idx.msk [tilespmem:v23+s13+$0x0], $0xffff  }
0x149: {  	v40 =	vld.idx.msk [tilespmem:v22+s13+$0x0], $0xffff;
	v22 =	vadd.s32 v7, v0  }
0x14a: {  	v23 =	vadd.s32 v13, v0;
	v42 =	vld.idx.msk [tilespmem:v19+s13+$0x0], $0xffff  }
0x14b: {  	v25 =	vadd.s32 v8, v0;
	v19 =	vld.idx.msk [tilespmem:v21+s13+$0x0], $0xffff  }
0x14c: {  	v21 =	vld.idx.msk [tilespmem:v27+s13+$0x0], $0xffff;
	v27 =	vadd.s32 v15, v0  }
0x14d: {  	v35 =	vld.idx.msk [tilespmem:v20+s13+$0x0], $0xffff;
	v0 =	vadd.s32 v10, v0  }
0x14e: {  	v53 =	vadd.s32 v12, v24;
	v20 =	vld.idx.msk [tilespmem:v22+s13+$0x0], $0xffff  }
0x14f: {  	s9 =	sand.u32 $0x7C00, s2;
	v50 =	vadd.s32 v15, v24;
	v22 =	vld.idx.msk [tilespmem:v23+s13+$0x0], $0xffff  }
0x150: {  	s8 =	sadd.s32 $0xE100, s9;
	v49 =	vadd.s32 v10, v24;
	v23 =	vld.idx.msk [tilespmem:v25+s13+$0x0], $0xffff  }
0x151: {  	s10 =	sor.u32 s1, s8;
	v25 =	vld.idx.msk [tilespmem:v27+s13+$0x0], $0xffff  }
0x152: {  	s11 =	simm.s32 $0x20;
	v24 =	vadd.s32 v61, v24;
	v31 =	vld.idx.msk [tilespmem:v0+s13+$0x0], $0xffff;
	[tilespmem:s10+$0x280] =	vst v46  }
0x153: {  	s19 =	sand.u32 $0x60, s11;
	v51 =	vld.idx.msk [tilespmem:v53+s13+$0x0], $0xffff;
	[tilespmem:s10+$0x180] =	vst v48  }
0x154: {  	s18 =	sor.u32 $0x10, s19;
	s3 =	sand.u32 $0xF80, s11;
	v32 =	vld.idx.msk [tilespmem:v50+s13+$0x0], $0xffff;
	[tilespmem:s10+$0x200] =	vst v45  }
0x155: {  	s3 =	sor.u32 s18, s3;
	s14 =	sadd.s32 $0x14680, s9;
	v28 =	vld.idx.msk [tilespmem:v49+s13+$0x0], $0xffff;
	[tilespmem:s10+$0x80] =	vst v47  }
0x156: {  	s4 =	sor.u32 s0, s14;
	s14 =	sor.u32 s1, s14;
	v0 =	vld [tilespmem:s3+$0xC80];
	[tilespmem:s10+$0x100] =	vst v26  }
0x157: {  	s12 =	sadd.s32 $0x14500, s9;
	s16 =	sor.u32 s0, s8;
	v54 =	vld.idx.msk [tilespmem:v24+s13+$0x0], $0xffff;
	[dreg:$0x1d] =	wrdreg s14  }
0x158: {  	s11 =	sadd.s32 $0x14580, s9;
	s20 =	sadd.s32 $0x14600, s9;
	s17 =	sadd.s32 $0x14780, s9;
	[tilespmem:s16+$0x200] =	vst v34  }
0x159: {  	s7 =	sor.u32 s0, s12;
	s6 =	sor.u32 s0, s11;
	s5 =	sor.u32 s0, s20;
	v27 =	vshll.u32 v44, $0x4;
	[tilespmem:s16+$0x280] =	vst v37  }
0x15a: {  	s31 =	sor.u32 s1, s12;
	s12 =	sor.u32 s1, s11;
	s11 =	sor.u32 s0, s17;
	v44 =	vadd.s32 v52, v27;
	[tilespmem:s16+$0x100] =	vst v30  }
0x15b: {  	s22 =	sor.u32 s1, s20;
	s20 =	sadd.s32 $0x14800, s9;
	[dreg:$0x1a] =	wrdreg s11;
	v26 =	vshll.u32 v0, $0x4;
	v0 =	vadd.s32 v6, v27  }
0x15c: {  	s26 =	sor.u32 s0, s20;
	[tilespmem:s16+$0x180] =	vst v39  }
0x15d: {  	s2 =	sand.u32 $0x3, s2;
	s15 =	sadd.s32 $0x14700, s9;
	[dreg:$0x1c] =	wrdreg s26  }
0x15e: {  	s23 =	sadd.s32 $0x14880, s9;
	s25 =	sshll.u32 s2, $0x5;
	s24 =	sor.u32 s1, s15;
	v55 =	vadd.s32 v14, v26;
	[tilespmem:s16+$0x0] =	vst v33  }
0x15f: {  	s9 =	sadd.s32 $0x0, s25;
	s3 =	sor.u32 s0, s15;
	s0 =	sor.u32 s0, s23;
	v56 =	vadd.s32 v2, v27;
	v24 =	vld.idx.msk [tilespmem:v44+s13+$0x0], $0xffff;
	[tilespmem:s10+$0x0] =	vst v29  }
0x160: {  	s21 =	sor.u32 s1, s17;
	s14 =	sadd.s32 $0x10, s9;
	v30 =	vadd.s32 v2, v26;
	v47 =	vld.idx.msk [tilespmem:v0+s13+$0x0], $0xffff;
	[dreg:$0x1f] =	wrdreg s0  }
0x161: {  	s8 =	sor.u32 s1, s20;
	s15 =	simm.s32 $0x100;
	s20 =	sor.u32 $0x300, s14;
	[tilespmem:s16+$0x80] =	vst v54  }
0x162: {  	s28 =	sor.u32 s1, s23;
	s1 =	sand.u32 $0x7C00, s15;
	s10 =	sor.u32 $0x380, s14;
	[tilespmem:s20+$0xE100] =	vst v38  }
0x163: {  	s17 =	sadd.s32 $0x14500, s1;
	v57 =	vadd.s32 v52, v26;
	v34 =	vld.idx.msk [tilespmem:v55+s13+$0x0], $0xffff;
	[tilespmem:s10+$0xE100] =	vst v43  }
0x164: {  	s23 =	sadd.s32 $0x14580, s1;
	s0 =	sor.u32 s19, s17;
	v33 =	vld.idx.msk [tilespmem:v56+s13+$0x0], $0xffff;
	[tilespmem:s7+$0x0] =	vst v40  }
0x165: {  	v58 =	vadd.s32 v14, v27;
	v30 =	vld.idx.msk [tilespmem:v30+s13+$0x0], $0xffff;
	s20 =	sor.u32 s18, s17;
	s17 =	sor.u32 s19, s23;
	[dreg:$0x11] =	wrdreg s0  }
0x166: {  	s25 =	sadd.s32 $0x14600, s1;
	v0 =	vadd.s32 v4, v26;
	[dreg:$0x6] =	wrdreg s17  }
0x167: {  	s26 =	sor.u32 s18, s23;
	s23 =	sor.u32 s19, s25;
	[tilespmem:s6+$0x0] =	vst v41  }
0x168: {  	s2 =	sadd.s32 $0x14680, s1;
	v29 =	vld.idx.msk [tilespmem:v57+s13+$0x0], $0xffff;
	[dreg:$0x8] =	wrdreg s23  }
0x169: {  	s14 =	sor.u32 s18, s25;
	s25 =	sadd.s32 $0x14700, s1;
	s6 =	sor.u32 s19, s2;
	[tilespmem:s5+$0x0] =	vst v42  }
0x16a: {  	s7 =	sor.u32 s18, s25;
	v46 =	vld.idx.msk [tilespmem:v58+s13+$0x0], $0xffff;
	[dreg:$0xa] =	wrdreg s6  }
0x16b: {  	v59 =	vadd.s32 v5, v26;
	v41 =	vld.idx.msk [tilespmem:v0+s13+$0x0], $0xffff;
	[dreg:$0x16] =	wrdreg s7  }
0x16c: {  	v60 =	vadd.s32 v6, v26;
	s10 =	sadd.s32 $0x14780, s1;
	s0 =	sor.u32 s19, s25;
	[tilespmem:s4+$0x0] =	vst v35  }
0x16d: {  	v62 =	vadd.s32 v3, v26;
	s16 =	sor.u32 s19, s10;
	[dreg:$0xc] =	wrdreg s0  }
0x16e: {  	v63 =	vadd.s32 v8, v26;
	s17 =	sor.u32 s18, s10;
	[dreg:$0xf] =	wrdreg s16  }
0x16f: {  	v45 =	vadd.s32 v61, v27;
	s23 =	sadd.s32 $0x14800, s1;
	v0 =	vadd.s32 v1, v26;
	[dreg:$0x10] =	wrdreg s17  }
0x170: {  	v11 =	vmov v9;
	v48 =	vadd.s32 v5, v27;
	v49 =	vadd.s32 v9, v26;
	s25 =	sor.u32 s19, s23;
	v42 =	vld.idx.msk [tilespmem:v59+s13+$0x0], $0xffff;
	[tilespmem:s3+$0x0] =	vst v51  }
0x171: {  	s29 =	simm.s32 $0x2;
	s30 =	simm.s32 $0x40;
	v53 =	vadd.s32 v8, v27;
	v50 =	vadd.s32 v10, v27;
	v44 =	vadd.s32 v3, v27;
	v35 =	vld.idx.msk [tilespmem:v60+s13+$0x0], $0xffff;
	[dreg:$0x14] =	wrdreg s25  }
0x172: {  	s11 =	sor.u32 s18, s2;
	v52 =	vadd.s32 v13, v26;
	v55 =	vadd.s32 v9, v27;
	v56 =	vadd.s32 v13, v27;
	s2 =	simm.s32 $0x1;
	s5 =	sadd.s32 $0xE100, s1;
	v43 =	vld.idx.msk [tilespmem:v62+s13+$0x0], $0xffff  }
0x173: {  	v54 =	vadd.s32 v15, v27;
	v9 =	vmovc v8;
	v8 =	vmov v7;
	v40 =	vadd.s32 v61, v26;
	s1 =	sadd.s32 $0x14880, s1;
	s6 =	sor.u32 $0x300, s9;
	s7 =	sor.u32 $0x380, s9;
	v37 =	vld.idx.msk [tilespmem:v63+s13+$0x0], $0xffff  }
0x174: {  	v58 =	vadd.s32 v7, v27;
	s9 =	simm.s32 $0x100;
	s16 =	sor.u32 s18, s23;
	s23 =	sor.u32 s19, s1;
	v51 =	vadd.s32 v4, v27;
	v59 =	vadd.s32 v12, v27;
	v38 =	vld.idx.msk [tilespmem:v0+s13+$0x0], $0xffff  }
0x175: {  	s0 =	simm.s32 $0x2;
	v60 =	vadd.s32 v7, v26;
	v7 =	vmovc v6;
	v6 =	vmovc v5;
	v5 =	vmov v4;
	v4 =	vmov v3;
	s25 =	sor.u32 s18, s1;
	s1 =	simm.s32 $0xCC0;
	v39 =	vld.idx.msk [tilespmem:v49+s13+$0x0], $0xffff  }
.LBB2_8:
0x176: {  	[smem:$0x7E2] =	sst s2  }
0x177: {  	[smem:$0x7E4] =	sst s20  }
0x178: {  	[smem:$0x7E3] =	sst s9  }
0x179: {  	[smem:$0x7E6] =	sst s26  }
0x17a: {  	[smem:$0x7E9] =	sst s11  }
0x17b: {  	s9 =	sand.u32 $0x60, s30;
	s15 =	sadd.s32 $0x100, s15;
	s4 =	sand.u32 $0xF80, s30  }
0x17c: {  	[tilespmem:s6+$0xE100] =	vst v18;
	s17 =	rddreg [dreg:$0x11];
	s2 =	smov.u32 s19;
	s26 =	smov.u32 s25  }
0x17d: {  	s25 =	smov.u32 s23;
	s6 =	sor.u32 $0x10, s9;
	[tilespmem:s7+$0xE100] =	vst v20;
	s11 =	sand.u32 $0x7C00, s15  }
0x17e: {  	s10 =	sor.u32 s6, s4;
	v0 =	vld.idx.msk [tilespmem:v59+s13+$0x0], $0xffff;
	[tilespmem:s31+$0x0] =	vst v23;
	s31 =	smov.u32 s17;
	s4 =	sadd.s32 $0x14500, s11  }
0x17f: {  	s19 =	sadd.s32 $0x14580, s11;
	s17 =	rddreg [dreg:$0x1d];
	s3 =	sor.u32 s6, s4  }
0x180: {  	s23 =	sadd.s32 $0x14600, s11;
	s20 =	sor.u32 s6, s19;
	[smem:$0x7E5] =	sst s3  }
0x181: {  	s7 =	sadd.s32 $0xE100, s11;
	v20 =	vld.idx.msk [tilespmem:v58+s13+$0x0], $0xffff;
	[tilespmem:s12+$0x0] =	vst v36;
	s12 =	sor.u32 s6, s23;
	[smem:$0x7E7] =	sst s20  }
0x182: {  	v36 =	vld.idx.msk [tilespmem:v56+s13+$0x0], $0xffff;
	[tilespmem:s22+$0x0] =	vst v21;
	s22 =	sadd.s32 $0x14680, s11;
	[smem:$0x7E8] =	sst s12;
	s12 =	sor.u32 s9, s4  }
0x183: {  	s20 =	sadd.s32 $0x14700, s11;
	s3 =	sadd.s32 $0x14800, s11;
	[dreg:$0x11] =	wrdreg s12  }
0x184: {  	v63 =	vld [tilespmem:s1+$0x0];
	[tilespmem:s17+$0x0] =	vst v22;
	s17 =	sor.u32 s6, s22;
	s12 =	sor.u32 s6, s20;
	s4 =	sor.u32 s9, s22  }
0x185: {  	s22 =	sadd.s32 $0x14780, s11;
	[smem:$0x7EA] =	sst s17;
	v21 =	vld.idx.msk [tilespmem:v55+s13+$0x0], $0xffff;
	[tilespmem:s24+$0x0] =	vst v19;
	s24 =	sor.u32 s9, s23  }
0x186: {  	s23 =	smov.u32 s16;
	v23 =	vld.idx.msk [tilespmem:v53+s13+$0x0], $0xffff;
	[tilespmem:s21+$0x0] =	vst v31;
	s21 =	sadd.s32 $0x14880, s11;
	s11 =	rddreg [dreg:$0x16]  }
0x187: {  	s16 =	sor.u32 s6, s22;
	v58 =	vld.idx.msk [tilespmem:v51+s13+$0x0], $0xffff;
	[tilespmem:s8+$0x0] =	vst v25;
	s8 =	sor.u32 s9, s22;
	s22 =	smov.u32 s11  }
0x188: {  	s17 =	smov.u32 s18;
	s18 =	sor.u32 s9, s3;
	[smem:$0x7EB] =	sst s22  }
0x189: {  	v49 =	vld.idx.msk [tilespmem:v52+s13+$0x0], $0xffff;
	s11 =	smov.u32 s14;
	s14 =	sor.u32 s6, s21;
	s22 =	rddreg [dreg:$0x1a]  }
0x18a: {  	v19 =	vmov v0;
	v0 =	vld.idx.msk [tilespmem:v48+s13+$0x0], $0xffff;
	[tilespmem:s28+$0x0] =	vst v17;
	s28 =	sor.u32 s6, s3;
	s3 =	sor.u32 s9, s21;
	s21 =	rddreg [dreg:$0x6]  }
0x18b: {  	v52 =	vld.idx.msk [tilespmem:v60+s13+$0x0], $0xffff;
	[tilespmem:s22+$0x0] =	vst v28;
	s22 =	smov.u32 s12;
	s12 =	rddreg [dreg:$0x1c]  }
0x18c: {  	v31 =	vadd.s32 v12, v26;
	[dreg:$0x16] =	wrdreg s22  }
0x18d: {  	s19 =	sor.u32 s9, s19;
	v28 =	vld [tilespmem:s10+$0xC80];
	[tilespmem:s12+$0x0] =	vst v32;
	s12 =	smov.u32 s21;
	s21 =	rddreg [dreg:$0x8]  }
0x18e: {  	s22 =	smov.u32 s19;
	s19 =	rddreg [dreg:$0x1f]  }
0x18f: {  	s10 =	rddreg [dreg:$0xc]  }
0x190: {  	[dreg:$0x6] =	wrdreg s22  }
0x191: {  	s22 =	smov.u32 s21;
	v57 =	vld.idx.msk [tilespmem:v31+s13+$0x0], $0xffff;
	[tilespmem:s19+$0x0] =	vst v16;
	s19 =	rddreg [dreg:$0xa]  }
0x192: {  	s21 =	smov.u32 s24;
	s24 =	smov.u32 s4;
	s4 =	rddreg [dreg:$0x10]  }
0x193: {  	v17 =	vmov v46;
	v48 =	vadd.s32 v1, v27;
	v46 =	vld.idx.msk [tilespmem:v45+s13+$0x0], $0xffff;
	[dreg:$0x8] =	wrdreg s21  }
0x194: {  	s20 =	sor.u32 s9, s20;
	v55 =	vld.idx.msk [tilespmem:v44+s13+$0x0], $0xffff;
	[dreg:$0xa] =	wrdreg s24  }
0x195: {  	v27 =	vshll.u32 v63, $0x4;
	v63 =	vld [tilespmem:$0x1FFE0];
	s21 =	smov.u32 s19;
	s19 =	smov.u32 s20;
	s20 =	rddreg [dreg:$0xf]  }
0x196: {  	v53 =	vadd.s32 v10, v26;
	v25 =	vld.idx.msk [tilespmem:v54+s13+$0x0], $0xffff;
	s24 =	smov.u32 s10;
	s10 =	smov.u32 s8;
	[dreg:$0x1d] =	wrdreg s21  }
0x197: {  	v32 =	vadd.s32 v15, v26;
	v31 =	vld.idx.msk [tilespmem:v50+s13+$0x0], $0xffff;
	[dreg:$0xf] =	wrdreg s10;
	s10 =	sor.u32 s2, s5  }
0x198: {  	v22 =	vmov v36;
	v54 =	vadd.s32 v2, v27;
	[dreg:$0xc] =	wrdreg s19;
	s21 =	smov.u32 s20;
	v36 =	vld.idx.msk [tilespmem:v48+s13+$0x0], $0xffff;
	[tilespmem:s10+$0x280] =	vst v0  }
0x199: {  	s19 =	rddreg [dreg:$0x14];
	s20 =	smov.u32 s18;
	s18 =	smov.u32 s16;
	[tilespmem:s10+$0x180] =	vst v55  }
0x19a: {  	v16 =	vmov v34;
	s16 =	smov.u32 s28;
	s28 =	smov.u32 s25;
	s25 =	smov.u32 s26;
	v34 =	vadd.s32 v63, v27;
	[tilespmem:s10+$0x200] =	vst v58  }
0x19b: {  	s26 =	sor.u32 s17, s5;
	s5 =	smov.u32 s7;
	s7 =	sld [smem:$0x7E2];
	v0 =	vadd.s32 v7, v27;
	[tilespmem:s10+$0x80] =	vst v46;
	v26 =	vshll.u32 v28, $0x4;
	v28 =	vld.idx.msk [tilespmem:v53+s13+$0x0], $0xffff  }
0x19c: {  	[dreg:$0x14] =	wrdreg s20;
	[tilespmem:s10+$0x100] =	vst v33;
	v32 =	vld.idx.msk [tilespmem:v32+s13+$0x0], $0xffff;
	v50 =	vadd.s32 v14, v26  }
0x19d: {  	v18 =	vmov v47;
	v3 =	vmov v2;
	v45 =	vadd.s32 v61, v27;
	s8 =	smov.u32 s19;
	s19 =	smov.u32 s9;
	[dreg:$0x1f] =	wrdreg s25;
	v33 =	vld.idx.msk [tilespmem:v54+s13+$0x0], $0xffff  }
0x19e: {  	s9 =	smov.u32 s4;
	s25 =	smov.u32 s14;
	s14 =	sld [smem:$0x7E3];
	v47 =	vadd.s32 v61, v26;
	v60 =	vadd.s32 v2, v26;
	v2 =	vmov v61;
	v61 =	vld.idx.msk [tilespmem:v40+s13+$0x0], $0xffff;
	[tilespmem:s26+$0x200] =	vst v41  }
0x19f: {  	[dreg:$0x1a] =	wrdreg s9;
	v63 =	vadd.s32 v63, v26;
	[tilespmem:s26+$0x280] =	vst v42;
	s9 =	sand.u32 $0x3, s7;
	v62 =	vld.idx.msk [tilespmem:v34+s13+$0x0], $0xffff  }
0x1a0: {  	[dreg:$0x10] =	wrdreg s18;
	s20 =	smov.u32 s23;
	v41 =	vadd.s32 v5, v26;
	v40 =	vmov v47;
	s4 =	sshll.u32 s9, $0x5;
	v47 =	vld.idx.msk [tilespmem:v0+s13+$0x0], $0xffff;
	[tilespmem:s10+$0x0] =	vst v24  }
0x1a1: {  	[dreg:$0x1c] =	wrdreg s20;
	v42 =	vadd.s32 v6, v26;
	s4 =	sadd.s32 s4, s14;
	v34 =	vld.idx.msk [tilespmem:v50+s13+$0x0], $0xffff;
	[tilespmem:s26+$0x100] =	vst v30  }
0x1a2: {  	s18 =	smov.u32 s6;
	s14 =	sld [smem:$0x7E7];
	s6 =	sadd.s32 $0x10, s4;
	[tilespmem:s26+$0x180] =	vst v43;
	v43 =	vadd.s32 v7, v26  }
0x1a3: {  	v0 =	vadd.s32 v4, v26;
	s17 =	sor.u32 $0x300, s6;
	s20 =	sor.u32 $0x380, s6;
	s6 =	sld [smem:$0x7E5];
	v30 =	vld.idx.msk [tilespmem:v60+s13+$0x0], $0xffff;
	[tilespmem:s26+$0x0] =	vst v29  }
0x1a4: {  	v46 =	vadd.s32 v14, v27;
	v29 =	vld.idx.msk [tilespmem:v63+s13+$0x0], $0xffff;
	[tilespmem:s26+$0x80] =	vst v61;
	s26 =	sld [smem:$0x7E4]  }
0x1a5: {  	s29 =	sadd.s32 $0x2, s29;
	s10 =	sld [smem:$0x7E6];
	v63 =	vadd.s32 v9, v26;
	v41 =	vld.idx.msk [tilespmem:v41+s13+$0x0], $0xffff;
	[tilespmem:s17+$0xE100] =	vst v35  }
0x1a6: {  	p0 =	slt.u32 s29, $0xC6;
	v44 =	vadd.s32 v4, v27;
	s7 =	sor.u32 $0x380, s4;
	v61 =	vadd.s32 v1, v26;
	s17 =	sld [smem:$0x7E8];
	v42 =	vld.idx.msk [tilespmem:v42+s13+$0x0], $0xffff;
	[tilespmem:s20+$0xE100] =	vst v52  }
0x1a7: {  	v51 =	vadd.s32 v5, v27;
	v24 =	vmov v62;
	v62 =	vadd.s32 v11, v26;
	s20 =	smov.u32 s6;
	s6 =	sor.u32 $0x300, s4;
	s4 =	sld [smem:$0x7E9];
	v35 =	vld.idx.msk [tilespmem:v43+s13+$0x0], $0xffff;
	[tilespmem:s26+$0x0] =	vst v37  }
.Ltmp7:
0x1a8: {  	v56 =	vadd.s32 v13, v27;
	v59 =	vadd.s32 v12, v27;
	v43 =	vld.idx.msk [tilespmem:v0+s13+$0x0], $0xffff;
	[tilespmem:s10+$0x0] =	vst v38;
	s10 =	sld [smem:$0x7EA];
	(pc) =	sbr.rel @p0 .LBB2_8-.Ltmp7, $4  }
0x1a9: {  	v48 =	vadd.s32 v6, v27;
	v55 =	vadd.s32 v11, v27;
	v58 =	vadd.s32 v8, v27;
	v46 =	vld.idx.msk [tilespmem:v46+s13+$0x0], $0xffff;
	s26 =	smov.u32 s14;
	s14 =	smov.u32 s17;
	s17 =	sld [smem:$0x7EB]  }
0x1aa: {  	s30 =	sadd.s32 $0x20, s30;
	v53 =	vadd.s32 v9, v27;
	v54 =	vadd.s32 v15, v27;
	v37 =	vld.idx.msk [tilespmem:v63+s13+$0x0], $0xffff;
	[tilespmem:s11+$0x0] =	vst v39  }
0x1ab: {  	s1 =	sadd.s32 $0x20, s1;
	s2 =	smov.u32 s0;
	s0 =	sadd.s32 $0x1, s0;
	v50 =	vadd.s32 v10, v27;
	v60 =	vadd.s32 v8, v26;
	v38 =	vld.idx.msk [tilespmem:v61+s13+$0x0], $0xffff;
	[tilespmem:s4+$0x0] =	vst v49  }
0x1ac: {  	s23 =	smov.u32 s3;
	s9 =	smov.u32 s15;
	v52 =	vadd.s32 v13, v26;
	v61 =	vmov v2;
	v2 =	vmov v3;
	s11 =	smov.u32 s10;
	v39 =	vld.idx.msk [tilespmem:v62+s13+$0x0], $0xffff;
	[tilespmem:s17+$0x0] =	vst v57  }
0x1ad: {  	[tilespmem:s6+$0xE100] =	vst v18  }
0x1ae: {  	[tilespmem:s7+$0xE100] =	vst v20  }
0x1af: {  	[tilespmem:s31+$0x0] =	vst v23  }
0x1b0: {  	[tilespmem:s12+$0x0] =	vst v36  }
0x1b1: {  	[tilespmem:s22+$0x0] =	vst v21  }
0x1b2: {  	v0 =	vld.idx.msk [tilespmem:v52+s13+$0x0], $0xffff;
	s0 =	rddreg [dreg:$0x1d]  }
0x1b3: {  	v18 =	vld.idx.msk [tilespmem:v59+s13+$0x0], $0xffff;
	[tilespmem:s0+$0x0] =	vst v22  }
0x1b4: {  	v49 =	vld.idx.msk [tilespmem:v53+s13+$0x0], $0xffff;
	[tilespmem:s24+$0x0] =	vst v19  }
0x1b5: {  	v52 =	vld.idx.msk [tilespmem:v51+s13+$0x0], $0xffff;
	v59 =	vadd.s32 v15, v26;
	[tilespmem:s21+$0x0] =	vst v31  }
0x1b6: {  	v53 =	vld.idx.msk [tilespmem:v48+s13+$0x0], $0xffff;
	v57 =	vadd.s32 v10, v26;
	[tilespmem:s8+$0x0] =	vst v25  }
0x1b7: {  	v60 =	vld.idx.msk [tilespmem:v60+s13+$0x0], $0xffff;
	[tilespmem:s28+$0x0] =	vst v17;
	v17 =	vadd.s32 v12, v26  }
0x1b8: {  	v63 =	vld.idx.msk [tilespmem:v40+s13+$0x0], $0xffff;
	s0 =	rddreg [dreg:$0x1a]  }
0x1b9: {  	v20 =	vld.idx.msk [tilespmem:v58+s13+$0x0], $0xffff;
	[tilespmem:s0+$0x0] =	vst v28  }
0x1ba: {  	v62 =	vld.idx.msk [tilespmem:v59+s13+$0x0], $0xffff;
	s0 =	rddreg [dreg:$0x1c]  }
0x1bb: {  	s1 =	sor.u32 s18, s5;
	v28 =	vld.idx.msk [tilespmem:v57+s13+$0x0], $0xffff;
	[tilespmem:s0+$0x0] =	vst v32  }
0x1bc: {  	s0 =	rddreg [dreg:$0x1f];
	v17 =	vld.idx.msk [tilespmem:v17+s13+$0x0], $0xffff;
	[tilespmem:s1+$0x200] =	vst v41  }
0x1bd: {  	v27 =	vadd.s32 v1, v27;
	v58 =	vld.idx.msk [tilespmem:v54+s13+$0x0], $0xffff;
	[tilespmem:s1+$0x280] =	vst v42  }
0x1be: {  	v23 =	vld.idx.msk [tilespmem:v56+s13+$0x0], $0xffff;
	[tilespmem:s1+$0x100] =	vst v30  }
0x1bf: {  	v56 =	vld.idx.msk [tilespmem:v44+s13+$0x0], $0xffff;
	[tilespmem:s1+$0x180] =	vst v43  }
0x1c0: {  	v21 =	vld.idx.msk [tilespmem:v55+s13+$0x0], $0xffff;
	[tilespmem:s1+$0x0] =	vst v29  }
0x1c1: {  	v55 =	vld.idx.msk [tilespmem:v45+s13+$0x0], $0xffff;
	[tilespmem:s1+$0x80] =	vst v63  }
0x1c2: {  	v27 =	vld.idx.msk [tilespmem:v27+s13+$0x0], $0xffff;
	s21 =	sor.u32 s19, s5;
	[tilespmem:s0+$0x0] =	vst v16  }
0x1c3: {  	v16 =	vld.idx.msk [tilespmem:v50+s13+$0x0], $0xffff;
	[tilespmem:s21+$0x280] =	vst v53  }
0x1c4: {  	s2 =	sand.u32 $0x3, s2;
	[tilespmem:s21+$0x180] =	vst v56  }
0x1c5: {  	s2 =	sshll.u32 s2, $0x5;
	[tilespmem:s21+$0x200] =	vst v52  }
0x1c6: {  	s2 =	sadd.s32 s2, s9;
	[tilespmem:s21+$0x80] =	vst v55  }
0x1c7: {  	s22 =	sadd.s32 $0x10, s2;
	[tilespmem:s21+$0x100] =	vst v33  }
0x1c8: {  	s24 =	sor.u32 $0x300, s22;
	[tilespmem:s21+$0x0] =	vst v24  }
0x1c9: {  	[tilespmem:s24+$0xE100] =	vst v35;
	s0 =	sor.u32 $0x380, s22  }
0x1ca: {  	[tilespmem:s0+$0xE100] =	vst v60  }
0x1cb: {  	[tilespmem:s20+$0x0] =	vst v37  }
0x1cc: {  	[tilespmem:s26+$0x0] =	vst v38  }
0x1cd: {  	[tilespmem:s14+$0x0] =	vst v39  }
0x1ce: {  	s26 =	sor.u32 $0x300, s2;
	[tilespmem:s11+$0x0] =	vst v0  }
0x1cf: {  	s0 =	rddreg [dreg:$0x16];
	[tilespmem:s26+$0xE100] =	vst v47  }
0x1d0: {  	s28 =	sor.u32 $0x380, s2;
	[tilespmem:s0+$0x0] =	vst v17  }
0x1d1: {  	[tilespmem:s28+$0xE100] =	vst v20  }
0x1d2: {  	s0 =	rddreg [dreg:$0x11]  }
0x1d3: {  	[tilespmem:s0+$0x0] =	vst v49  }
0x1d4: {  	s0 =	rddreg [dreg:$0x6]  }
0x1d5: {  	[tilespmem:s0+$0x0] =	vst v27  }
0x1d6: {  	s0 =	rddreg [dreg:$0x8]  }
0x1d7: {  	[tilespmem:s0+$0x0] =	vst v21  }
0x1d8: {  	s0 =	rddreg [dreg:$0xa]  }
0x1d9: {  	[tilespmem:s0+$0x0] =	vst v23  }
0x1da: {  	s0 =	rddreg [dreg:$0xc]  }
0x1db: {  	[tilespmem:s0+$0x0] =	vst v18  }
0x1dc: {  	s0 =	rddreg [dreg:$0xf]  }
0x1dd: {  	[tilespmem:s0+$0x0] =	vst v16  }
0x1de: {  	s0 =	rddreg [dreg:$0x14]  }
0x1df: {  	[tilespmem:s0+$0x0] =	vst v58  }
0x1e0: {  	[tilespmem:s23+$0x0] =	vst v46  }
0x1e1: {  	s0 =	rddreg [dreg:$0x10]  }
0x1e2: {  	[tilespmem:s0+$0x0] =	vst v28  }
0x1e3: {  	s0 =	sld [smem:$0x7F6];
	_ =	sdelay $0x1  }
.Ltmp8:
0x1e4: {  	_ = 	snop;
	(pc) =	sbr.rel .LBB2_10-.Ltmp8, $4  }
0x1e5: {  	s0 =	smul.u32 $0xC80, s0  }
0x1e6: {  	s29 =	rddreg [dreg:$0x2];
	s30 =	simm.s32 $0x6400;
	[tilespmem:s16+$0x0] =	vst v62  }
0x1e7: {  	s3 =	simm.s32 $0xE100;
	v3 =	vmov v4;
	v4 =	vmov v5;
	s31 =	simm.s32 $0x1E84800;
	[tilespmem:s25+$0x0] =	vst v34;
	s0 =	sadd.s32 s29, s0  }
0x1e8: {  	v5 =	vmovc v6;
	v6 =	vmovc v7;
	v7 =	vmov v8;
	v8 =	vmov v9;
	v9 =	vmov v11;
	[hbm4b:s0+s30] =	stream.strided.scatter [tilespmem:s3], [sflag:$0x4], $0xC800, s31, s30, $0x38;
	[tilespmem:$0x1E100] =	vst v63  }
.LBB2_12:
0x1e9: {  	_ =	sfence.sel $0x180000  }
0x1ea: {  	[bflag:$0x0] =	sbarrier.arrive $0xFFFF  }
0x1eb: {  	_ =	strace $0x90000047  }
0x1ec: {  	s0 =	stileid.u32;
	[bflag:$0x2] =	sbarrier.arrive $0xFFFF  }
0x1ed: {  	p0 =	sne.s32 s0, $0x0;
	s0 =	rddreg [dreg:$0x3]  }
0x1ee: {  	s0 =	sadd.s32 @!p0 $0x100000, s0  }
0x1ef: {  	[sflag:s0] =	ssyncadd.tile.s32 @!p0 $0x1;
	_ =	shalt  }
.Lfunc_end2:
_tile_overlayer_lowered:
.L_overlay_start_2:
0x1f0: {  	(tag) =	ssettag $0x2  }
0x1f1: {  	s0 =	rddreg [dreg:$0x0];
	s2 =	stileid.u32  }
0x1f2: {  	s1 =	rddreg [dreg:$0x1];
	p0 =	sne.s32 s2, $0x0  }
0x1f3: {  	s3 =	rddreg [dreg:$0x2];
	[bflag:$0x3] =	sbarrier.arrive $0xFFFF;
	s2 =	simm.s32 @!p0 $0x1C05  }
0x1f4: {  	[timem:s3], [sflag:s2] =	dma.local @!p0 [hbm:s0], s1  }
0x1f5: {  	s0 =	simm.s32 @!p0 $0x5  }
0x1f6: {  	_ =	swait.ge @!p0 [sflag:s0], s1  }
0x1f7: {  	s1 =	ssub.s32 @!p0 $0x0, s1;
	[sflag:s0] =	ssyncset.done @!p0 $0x0  }
0x1f8: {  	[sflag:s0] =	ssyncadd.s32 @!p0 s1  }
0x1f9: {  	[bflag:$0x3] =	sbarrier.arrive $0xFFFF  }
0x1fa: {  	_ =	shalt  }

</sc_bundles>
